<compile_context>
chip_gen: v7x
topology: tpu7x:2x2x1
jax: 0.10.2.dev20260603
libtpu: 0.0.44.dev20260713+nightly
codegen_flags: <defaults>
</compile_context>

<pallas_src>
import jax
import jax.numpy as jnp
from jax import lax
from jax.experimental import pallas as pl
from jax.experimental.pallas import tpu as pltpu
from jax.experimental.pallas import tpu_sc as plsc

HIDDEN = 64
BATCH = 16384
SEQ = 50
NC, NS, LANES = 2, 16, 16
NW = NC * NS
ROWS_PER_W = BATCH // NW
NVH = HIDDEN // LANES


def _sc_body(xt_hbm, table_hbm, out_hbm, idx_v, acc_v, sem):
    wid = lax.axis_index("s") * NC + lax.axis_index("c")
    wbase = pl.multiple_of(wid * ROWS_PER_W, ROWS_PER_W)
    inv = jnp.float32(1.0 / SEQ)
    zero = jnp.zeros((LANES,), jnp.float32)

    pltpu.sync_copy(xt_hbm.at[:, pl.ds(wbase, ROWS_PER_W)], idx_v)

    def zero_body(c, carry):
        for h in range(NVH):
            acc_v[c, pl.ds(h * LANES, LANES)] = zero
        return carry

    lax.fori_loop(0, ROWS_PER_W, zero_body, 0)

    cps = [
        pltpu.async_copy(table_hbm.at[idx_v.at[s]], acc_v, sem, add=True)
        for s in range(SEQ)
    ]
    for cp in cps:
        cp.wait()

    def scale_body(c, carry):
        for h in range(NVH):
            sl = pl.ds(h * LANES, LANES)
            acc_v[c, sl] = acc_v[c, sl] * inv
        return carry

    lax.fori_loop(0, ROWS_PER_W, scale_body, 0)
    pltpu.sync_copy(acc_v, out_hbm.at[pl.ds(wbase, ROWS_PER_W)])


def kernel(x, table):
    xt = x.astype(jnp.int32).T
    k = pl.kernel(
        _sc_body,
        out_type=jax.ShapeDtypeStruct((BATCH, HIDDEN), jnp.float32),
        mesh=plsc.VectorSubcoreMesh(core_axis_name="c", subcore_axis_name="s"),
        compiler_params=pltpu.CompilerParams(use_tc_tiling_on_sc=False),
        scratch_types=[
            pltpu.VMEM((SEQ, ROWS_PER_W), jnp.int32),
            pltpu.VMEM((ROWS_PER_W, HIDDEN), jnp.float32),
            pltpu.SemaphoreType.DMA,
        ],
    )
    return k(xt, table)

# --- scband reference (transcript-rebuilt; emitter-appended) ---
"""Pipeline reference for scband-sentence-encoder-20839181320391 (READ-ONLY COPY).

The authoritative reference and input builder live on the scoring server;
editing this copy changes nothing except your own understanding.
"""

import jax, jax.numpy as jnp
import numpy as np

VOCAB = 1000000
HIDDEN = 64
BATCH = 16384
SEQ = 50

def setup_inputs(seed: int = 0) -> dict:
    key = jax.random.key(seed)
    k1, k2 = jax.random.split(key)
    x = jax.random.randint(k1, (BATCH, SEQ), 0, VOCAB, dtype=jnp.int64) if jax.config.jax_enable_x64 else jax.random.randint(k1, (BATCH, SEQ), 0, VOCAB, dtype=jnp.int32)
    # embedding table: (vocab_size + 1, hidden_size), padding_idx=0 row zeroed
    table = jax.random.normal(k2, (VOCAB + 1, HIDDEN), dtype=jnp.float32)
    table = table.at[0].set(0.0)
    return {"x": x, "table": table}

def reference(x, table):
    # nn.Embedding lookup
    emb = jnp.take(table, x, axis=0)  # [B, S, H]
    # AvgPool1d over the sequence dim (kernel = x.shape[1]) after transpose(1,2), then squeeze
    pooled = jnp.mean(emb, axis=1)  # [B, H]
    return pooled

if __name__ == "__main__":
    import jax
    _d = setup_inputs()
    print(jax.jit(kernel)(*tuple(_d.values())))

</pallas_src>

<mosaic_0001>
#map = affine_map<(d0, d1) -> (0, 0)>
module attributes {stable_mosaic.version = 14 : i64} {
  func.func @_sc_body(%arg0: i32, %arg1: i32, %arg2: memref<50x16384xi32, #tpu.memory_space<hbm>>, %arg3: memref<1000001x64xf32, #tpu.memory_space<hbm>>, %arg4: memref<16384x64xf32, #tpu.memory_space<hbm>>, %arg5: memref<50x512xi32, #tpu.memory_space<vmem>>, %arg6: memref<512x64xf32, #tpu.memory_space<vmem>>, %arg7: memref<!tpu.dma_semaphore, #tpu.memory_space<semaphore_mem>>) attributes {dimension_semantics = [#tpu.dimension_semantics<core_parallel>, #tpu.dimension_semantics<subcore_parallel>], iteration_bounds = array<i64: 2, 16>, scalar_prefetch = 0 : i64, scratch_operands = 3 : i64, tpu.core_type = #tpu.core_type<sc_vector_subcore>, window_params = [{transform_indices = #map}, {transform_indices = #map}, {transform_indices = #map}]} {
    %mul3A = arith.constant 2 : i32
    %mul3A_0 = arith.muli %arg1, %mul3A : i32
    %add3A = arith.addi %mul3A_0, %arg0 : i32
    %mul3A_1 = arith.constant 512 : i32
    %mul3A_2 = arith.muli %add3A, %mul3A_1 : i32
    %multiple_of3A = tpu.assume_multiple %mul3A_2, 512 : i32
    %broadcast_in_dim3A = arith.constant 0.000000e+00 : f32
    %broadcast_in_dim3A_3 = vector.broadcast %broadcast_in_dim3A : f32 to vector<16xf32>
    "tpu.region"() ({
      %run_scoped3A = tpu.sem_alloc : memref<!tpu.dma_semaphore, #tpu.memory_space<semaphore_mem>>
      %dma_start3A_714 = arith.constant 0 : i32
      %dma_start3A_715 = tpu.memref_slice %arg2[%dma_start3A_714, %multiple_of3A] : memref<50x16384xi32, #tpu.memory_space<hbm>> -> memref<50x512xi32, #tpu.memory_space<hbm>>
      %dma_start3A_716 = arith.constant 0 : i32
      %dma_start3A_717 = tpu.memref_slice %arg2[%dma_start3A_716, %multiple_of3A] : memref<50x16384xi32, #tpu.memory_space<hbm>> -> memref<50x512xi32, #tpu.memory_space<hbm>>
      tpu.enqueue_dma source(%dma_start3A_717 : memref<50x512xi32, #tpu.memory_space<hbm>>) target(%arg5 : memref<50x512xi32, #tpu.memory_space<vmem>>) target_semaphore(%run_scoped3A : memref<!tpu.dma_semaphore, #tpu.memory_space<semaphore_mem>>)
      %dma_wait3A_718 = arith.constant 0 : i32
      %dma_wait3A_719 = tpu.memref_slice %arg2[%dma_wait3A_718, %multiple_of3A] : memref<50x16384xi32, #tpu.memory_space<hbm>> -> memref<50x512xi32, #tpu.memory_space<hbm>>
      %dma_wait3A_720 = arith.constant 0 : i32
      %dma_wait3A_721 = tpu.memref_slice %arg2[%dma_wait3A_720, %multiple_of3A] : memref<50x16384xi32, #tpu.memory_space<hbm>> -> memref<50x512xi32, #tpu.memory_space<hbm>>
      tpu.wait_dma2 semaphore(%run_scoped3A : memref<!tpu.dma_semaphore, #tpu.memory_space<semaphore_mem>>) src(%dma_wait3A_721 : memref<50x512xi32, #tpu.memory_space<hbm>>) dst(%arg5 : memref<50x512xi32, #tpu.memory_space<vmem>>)
      tpu.yield
    }) : () -> ()
    %scan3A = arith.constant 0 : i32
    %scan3A_4 = arith.constant 0 : i32
    %scan3A_5 = arith.constant 512 : i32
    %scan3A_6 = arith.addi %scan3A_4, %scan3A_5 : i32
    %scan3A_7 = arith.constant 1 : i32
    scf.for %scan3A_714 = %scan3A_4 to %scan3A_6 step %scan3A_7  : i32 {
      %swap3A = arith.index_cast %scan3A_714 : i32 to index
      %swap3A_715 = arith.constant 0 : index
      %swap3A_716 = tpu.vector_load %arg6[%swap3A, %swap3A_715] {strides = array<i32>} : memref<512x64xf32, #tpu.memory_space<vmem>>, vector<1x16xf32>,
      %swap3A_717 = vector.shape_cast %swap3A_716 : vector<1x16xf32> to vector<16xf32>
      %swap3A_718 = vector.shape_cast %broadcast_in_dim3A_3 : vector<16xf32> to vector<1x16xf32>
      tpu.vector_store %arg6[%swap3A, %swap3A_715], %swap3A_718 {strides = array<i32>} : memref<512x64xf32, #tpu.memory_space<vmem>>, vector<1x16xf32>,
      %swap3A_719 = arith.index_cast %scan3A_714 : i32 to index
      %swap3A_720 = arith.constant 16 : index
      %swap3A_721 = tpu.vector_load %arg6[%swap3A_719, %swap3A_720] {strides = array<i32>} : memref<512x64xf32, #tpu.memory_space<vmem>>, vector<1x16xf32>,
      %swap3A_722 = vector.shape_cast %swap3A_721 : vector<1x16xf32> to vector<16xf32>
      %swap3A_723 = vector.shape_cast %broadcast_in_dim3A_3 : vector<16xf32> to vector<1x16xf32>
      tpu.vector_store %arg6[%swap3A_719, %swap3A_720], %swap3A_723 {strides = array<i32>} : memref<512x64xf32, #tpu.memory_space<vmem>>, vector<1x16xf32>,
      %swap3A_724 = arith.index_cast %scan3A_714 : i32 to index
      %swap3A_725 = arith.constant 32 : index
      %swap3A_726 = tpu.vector_load %arg6[%swap3A_724, %swap3A_725] {strides = array<i32>} : memref<512x64xf32, #tpu.memory_space<vmem>>, vector<1x16xf32>,
      %swap3A_727 = vector.shape_cast %swap3A_726 : vector<1x16xf32> to vector<16xf32>
      %swap3A_728 = vector.shape_cast %broadcast_in_dim3A_3 : vector<16xf32> to vector<1x16xf32>
      tpu.vector_store %arg6[%swap3A_724, %swap3A_725], %swap3A_728 {strides = array<i32>} : memref<512x64xf32, #tpu.memory_space<vmem>>, vector<1x16xf32>,
      %swap3A_729 = arith.index_cast %scan3A_714 : i32 to index
      %swap3A_730 = arith.constant 48 : index
      %swap3A_731 = tpu.vector_load %arg6[%swap3A_729, %swap3A_730] {strides = array<i32>} : memref<512x64xf32, #tpu.memory_space<vmem>>, vector<1x16xf32>,
      %swap3A_732 = vector.shape_cast %swap3A_731 : vector<1x16xf32> to vector<16xf32>
      %swap3A_733 = vector.shape_cast %broadcast_in_dim3A_3 : vector<16xf32> to vector<1x16xf32>
      tpu.vector_store %arg6[%swap3A_729, %swap3A_730], %swap3A_733 {strides = array<i32>} : memref<512x64xf32, #tpu.memory_space<vmem>>, vector<1x16xf32>,
    }
    %scan3A_8 = arith.constant 512 : i32
    %dma_start3A = arith.constant 0 : i32
    %dma_start3A_9 = arith.constant 0 : i32
    %dma_start3A_10 = tpu.memref_slice %arg5[%dma_start3A, %dma_start3A_9] : memref<50x512xi32, #tpu.memory_space<vmem>> -> memref<1x512xi32, #tpu.memory_space<vmem>>
    %dma_start3A_11 = tpu.memref_squeeze %dma_start3A_10 : memref<1x512xi32, #tpu.memory_space<vmem>> -> memref<512xi32, #tpu.memory_space<vmem>>
    %dma_start3A_12 = arith.constant 0 : i32
    %dma_start3A_13 = arith.constant 0 : i32
    %dma_start3A_14 = tpu.memref_slice %arg3[%dma_start3A_12, %dma_start3A_13] : memref<1000001x64xf32, #tpu.memory_space<hbm>> -> memref<1000001x64xf32, #tpu.memory_space<hbm>>
    tpu.enqueue_indirect_dma source(%dma_start3A_14 : memref<1000001x64xf32, #tpu.memory_space<hbm>>) target(%arg6 : memref<512x64xf32, #tpu.memory_space<vmem>>) offsets(%dma_start3A_11 : memref<512xi32, #tpu.memory_space<vmem>>) semaphore(%arg7 : memref<!tpu.dma_semaphore, #tpu.memory_space<semaphore_mem>>) {add = true}
    %dma_start3A_15 = arith.constant 1 : i32
    %dma_start3A_16 = arith.constant 0 : i32
    %dma_start3A_17 = tpu.memref_slice %arg5[%dma_start3A_15, %dma_start3A_16] : memref<50x512xi32, #tpu.memory_space<vmem>> -> memref<1x512xi32, #tpu.memory_space<vmem>>
    %dma_start3A_18 = tpu.memref_squeeze %dma_start3A_17 : memref<1x512xi32, #tpu.memory_space<vmem>> -> memref<512xi32, #tpu.memory_space<vmem>>
    %dma_start3A_19 = arith.constant 0 : i32
    %dma_start3A_20 = arith.constant 0 : i32
    %dma_start3A_21 = tpu.memref_slice %arg3[%dma_start3A_19, %dma_start3A_20] : memref<1000001x64xf32, #tpu.memory_space<hbm>> -> memref<1000001x64xf32, #tpu.memory_space<hbm>>
    tpu.enqueue_indirect_dma source(%dma_start3A_21 : memref<1000001x64xf32, #tpu.memory_space<hbm>>) target(%arg6 : memref<512x64xf32, #tpu.memory_space<vmem>>) offsets(%dma_start3A_18 : memref<512xi32, #tpu.memory_space<vmem>>) semaphore(%arg7 : memref<!tpu.dma_semaphore, #tpu.memory_space<semaphore_mem>>) {add = true}
    %dma_start3A_22 = arith.constant 2 : i32
    %dma_start3A_23 = arith.constant 0 : i32
    %dma_start3A_24 = tpu.memref_slice %arg5[%dma_start3A_22, %dma_start3A_23] : memref<50x512xi32, #tpu.memory_space<vmem>> -> memref<1x512xi32, #tpu.memory_space<vmem>>
    %dma_start3A_25 = tpu.memref_squeeze %dma_start3A_24 : memref<1x512xi32, #tpu.memory_space<vmem>> -> memref<512xi32, #tpu.memory_space<vmem>>
    %dma_start3A_26 = arith.constant 0 : i32
    %dma_start3A_27 = arith.constant 0 : i32
    %dma_start3A_28 = tpu.memref_slice %arg3[%dma_start3A_26, %dma_start3A_27] : memref<1000001x64xf32, #tpu.memory_space<hbm>> -> memref<1000001x64xf32, #tpu.memory_space<hbm>>
    tpu.enqueue_indirect_dma source(%dma_start3A_28 : memref<1000001x64xf32, #tpu.memory_space<hbm>>) target(%arg6 : memref<512x64xf32, #tpu.memory_space<vmem>>) offsets(%dma_start3A_25 : memref<512xi32, #tpu.memory_space<vmem>>) semaphore(%arg7 : memref<!tpu.dma_semaphore, #tpu.memory_space<semaphore_mem>>) {add = true}
    %dma_start3A_29 = arith.constant 3 : i32
    %dma_start3A_30 = arith.constant 0 : i32
    %dma_start3A_31 = tpu.memref_slice %arg5[%dma_start3A_29, %dma_start3A_30] : memref<50x512xi32, #tpu.memory_space<vmem>> -> memref<1x512xi32, #tpu.memory_space<vmem>>
    %dma_start3A_32 = tpu.memref_squeeze %dma_start3A_31 : memref<1x512xi32, #tpu.memory_space<vmem>> -> memref<512xi32, #tpu.memory_space<vmem>>
    %dma_start3A_33 = arith.constant 0 : i32
    %dma_start3A_34 = arith.constant 0 : i32
    %dma_start3A_35 = tpu.memref_slice %arg3[%dma_start3A_33, %dma_start3A_34] : memref<1000001x64xf32, #tpu.memory_space<hbm>> -> memref<1000001x64xf32, #tpu.memory_space<hbm>>
    tpu.enqueue_indirect_dma source(%dma_start3A_35 : memref<1000001x64xf32, #tpu.memory_space<hbm>>) target(%arg6 : memref<512x64xf32, #tpu.memory_space<vmem>>) offsets(%dma_start3A_32 : memref<512xi32, #tpu.memory_space<vmem>>) semaphore(%arg7 : memref<!tpu.dma_semaphore, #tpu.memory_space<semaphore_mem>>) {add = true}
    %dma_start3A_36 = arith.constant 4 : i32
    %dma_start3A_37 = arith.constant 0 : i32
    %dma_start3A_38 = tpu.memref_slice %arg5[%dma_start3A_36, %dma_start3A_37] : memref<50x512xi32, #tpu.memory_space<vmem>> -> memref<1x512xi32, #tpu.memory_space<vmem>>
    %dma_start3A_39 = tpu.memref_squeeze %dma_start3A_38 : memref<1x512xi32, #tpu.memory_space<vmem>> -> memref<512xi32, #tpu.memory_space<vmem>>
    %dma_start3A_40 = arith.constant 0 : i32
    %dma_start3A_41 = arith.constant 0 : i32
    %dma_start3A_42 = tpu.memref_slice %arg3[%dma_start3A_40, %dma_start3A_41] : memref<1000001x64xf32, #tpu.memory_space<hbm>> -> memref<1000001x64xf32, #tpu.memory_space<hbm>>
    tpu.enqueue_indirect_dma source(%dma_start3A_42 : memref<1000001x64xf32, #tpu.memory_space<hbm>>) target(%arg6 : memref<512x64xf32, #tpu.memory_space<vmem>>) offsets(%dma_start3A_39 : memref<512xi32, #tpu.memory_space<vmem>>) semaphore(%arg7 : memref<!tpu.dma_semaphore, #tpu.memory_space<semaphore_mem>>) {add = true}
    %dma_start3A_43 = arith.constant 5 : i32
    %dma_start3A_44 = arith.constant 0 : i32
    %dma_start3A_45 = tpu.memref_slice %arg5[%dma_start3A_43, %dma_start3A_44] : memref<50x512xi32, #tpu.memory_space<vmem>> -> memref<1x512xi32, #tpu.memory_space<vmem>>
    %dma_start3A_46 = tpu.memref_squeeze %dma_start3A_45 : memref<1x512xi32, #tpu.memory_space<vmem>> -> memref<512xi32, #tpu.memory_space<vmem>>
    %dma_start3A_47 = arith.constant 0 : i32
    %dma_start3A_48 = arith.constant 0 : i32
    %dma_start3A_49 = tpu.memref_slice %arg3[%dma_start3A_47, %dma_start3A_48] : memref<1000001x64xf32, #tpu.memory_space<hbm>> -> memref<1000001x64xf32, #tpu.memory_space<hbm>>
    tpu.enqueue_indirect_dma source(%dma_start3A_49 : memref<1000001x64xf32, #tpu.memory_space<hbm>>) target(%arg6 : memref<512x64xf32, #tpu.memory_space<vmem>>) offsets(%dma_start3A_46 : memref<512xi32, #tpu.memory_space<vmem>>) semaphore(%arg7 : memref<!tpu.dma_semaphore, #tpu.memory_space<semaphore_mem>>) {add = true}
    %dma_start3A_50 = arith.constant 6 : i32
    %dma_start3A_51 = arith.constant 0 : i32
    %dma_start3A_52 = tpu.memref_slice %arg5[%dma_start3A_50, %dma_start3A_51] : memref<50x512xi32, #tpu.memory_space<vmem>> -> memref<1x512xi32, #tpu.memory_space<vmem>>
    %dma_start3A_53 = tpu.memref_squeeze %dma_start3A_52 : memref<1x512xi32, #tpu.memory_space<vmem>> -> memref<512xi32, #tpu.memory_space<vmem>>
    %dma_start3A_54 = arith.constant 0 : i32
    %dma_start3A_55 = arith.constant 0 : i32
    %dma_start3A_56 = tpu.memref_slice %arg3[%dma_start3A_54, %dma_start3A_55] : memref<1000001x64xf32, #tpu.memory_space<hbm>> -> memref<1000001x64xf32, #tpu.memory_space<hbm>>
    tpu.enqueue_indirect_dma source(%dma_start3A_56 : memref<1000001x64xf32, #tpu.memory_space<hbm>>) target(%arg6 : memref<512x64xf32, #tpu.memory_space<vmem>>) offsets(%dma_start3A_53 : memref<512xi32, #tpu.memory_space<vmem>>) semaphore(%arg7 : memref<!tpu.dma_semaphore, #tpu.memory_space<semaphore_mem>>) {add = true}
    %dma_start3A_57 = arith.constant 7 : i32
    %dma_start3A_58 = arith.constant 0 : i32
    %dma_start3A_59 = tpu.memref_slice %arg5[%dma_start3A_57, %dma_start3A_58] : memref<50x512xi32, #tpu.memory_space<vmem>> -> memref<1x512xi32, #tpu.memory_space<vmem>>
    %dma_start3A_60 = tpu.memref_squeeze %dma_start3A_59 : memref<1x512xi32, #tpu.memory_space<vmem>> -> memref<512xi32, #tpu.memory_space<vmem>>
    %dma_start3A_61 = arith.constant 0 : i32
    %dma_start3A_62 = arith.constant 0 : i32
    %dma_start3A_63 = tpu.memref_slice %arg3[%dma_start3A_61, %dma_start3A_62] : memref<1000001x64xf32, #tpu.memory_space<hbm>> -> memref<1000001x64xf32, #tpu.memory_space<hbm>>
    tpu.enqueue_indirect_dma source(%dma_start3A_63 : memref<1000001x64xf32, #tpu.memory_space<hbm>>) target(%arg6 : memref<512x64xf32, #tpu.memory_space<vmem>>) offsets(%dma_start3A_60 : memref<512xi32, #tpu.memory_space<vmem>>) semaphore(%arg7 : memref<!tpu.dma_semaphore, #tpu.memory_space<semaphore_mem>>) {add = true}
    %dma_start3A_64 = arith.constant 8 : i32
    %dma_start3A_65 = arith.constant 0 : i32
    %dma_start3A_66 = tpu.memref_slice %arg5[%dma_start3A_64, %dma_start3A_65] : memref<50x512xi32, #tpu.memory_space<vmem>> -> memref<1x512xi32, #tpu.memory_space<vmem>>
    %dma_start3A_67 = tpu.memref_squeeze %dma_start3A_66 : memref<1x512xi32, #tpu.memory_space<vmem>> -> memref<512xi32, #tpu.memory_space<vmem>>
    %dma_start3A_68 = arith.constant 0 : i32
    %dma_start3A_69 = arith.constant 0 : i32
    %dma_start3A_70 = tpu.memref_slice %arg3[%dma_start3A_68, %dma_start3A_69] : memref<1000001x64xf32, #tpu.memory_space<hbm>> -> memref<1000001x64xf32, #tpu.memory_space<hbm>>
    tpu.enqueue_indirect_dma source(%dma_start3A_70 : memref<1000001x64xf32, #tpu.memory_space<hbm>>) target(%arg6 : memref<512x64xf32, #tpu.memory_space<vmem>>) offsets(%dma_start3A_67 : memref<512xi32, #tpu.memory_space<vmem>>) semaphore(%arg7 : memref<!tpu.dma_semaphore, #tpu.memory_space<semaphore_mem>>) {add = true}
    %dma_start3A_71 = arith.constant 9 : i32
    %dma_start3A_72 = arith.constant 0 : i32
    %dma_start3A_73 = tpu.memref_slice %arg5[%dma_start3A_71, %dma_start3A_72] : memref<50x512xi32, #tpu.memory_space<vmem>> -> memref<1x512xi32, #tpu.memory_space<vmem>>
    %dma_start3A_74 = tpu.memref_squeeze %dma_start3A_73 : memref<1x512xi32, #tpu.memory_space<vmem>> -> memref<512xi32, #tpu.memory_space<vmem>>
    %dma_start3A_75 = arith.constant 0 : i32
    %dma_start3A_76 = arith.constant 0 : i32
    %dma_start3A_77 = tpu.memref_slice %arg3[%dma_start3A_75, %dma_start3A_76] : memref<1000001x64xf32, #tpu.memory_space<hbm>> -> memref<1000001x64xf32, #tpu.memory_space<hbm>>
    tpu.enqueue_indirect_dma source(%dma_start3A_77 : memref<1000001x64xf32, #tpu.memory_space<hbm>>) target(%arg6 : memref<512x64xf32, #tpu.memory_space<vmem>>) offsets(%dma_start3A_74 : memref<512xi32, #tpu.memory_space<vmem>>) semaphore(%arg7 : memref<!tpu.dma_semaphore, #tpu.memory_space<semaphore_mem>>) {add = true}
    %dma_start3A_78 = arith.constant 10 : i32
    %dma_start3A_79 = arith.constant 0 : i32
    %dma_start3A_80 = tpu.memref_slice %arg5[%dma_start3A_78, %dma_start3A_79] : memref<50x512xi32, #tpu.memory_space<vmem>> -> memref<1x512xi32, #tpu.memory_space<vmem>>
    %dma_start3A_81 = tpu.memref_squeeze %dma_start3A_80 : memref<1x512xi32, #tpu.memory_space<vmem>> -> memref<512xi32, #tpu.memory_space<vmem>>
    %dma_start3A_82 = arith.constant 0 : i32
    %dma_start3A_83 = arith.constant 0 : i32
    %dma_start3A_84 = tpu.memref_slice %arg3[%dma_start3A_82, %dma_start3A_83] : memref<1000001x64xf32, #tpu.memory_space<hbm>> -> memref<1000001x64xf32, #tpu.memory_space<hbm>>
    tpu.enqueue_indirect_dma source(%dma_start3A_84 : memref<1000001x64xf32, #tpu.memory_space<hbm>>) target(%arg6 : memref<512x64xf32, #tpu.memory_space<vmem>>) offsets(%dma_start3A_81 : memref<512xi32, #tpu.memory_space<vmem>>) semaphore(%arg7 : memref<!tpu.dma_semaphore, #tpu.memory_space<semaphore_mem>>) {add = true}
    %dma_start3A_85 = arith.constant 11 : i32
    %dma_start3A_86 = arith.constant 0 : i32
    %dma_start3A_87 = tpu.memref_slice %arg5[%dma_start3A_85, %dma_start3A_86] : memref<50x512xi32, #tpu.memory_space<vmem>> -> memref<1x512xi32, #tpu.memory_space<vmem>>
    %dma_start3A_88 = tpu.memref_squeeze %dma_start3A_87 : memref<1x512xi32, #tpu.memory_space<vmem>> -> memref<512xi32, #tpu.memory_space<vmem>>
    %dma_start3A_89 = arith.constant 0 : i32
    %dma_start3A_90 = arith.constant 0 : i32
    %dma_start3A_91 = tpu.memref_slice %arg3[%dma_start3A_89, %dma_start3A_90] : memref<1000001x64xf32, #tpu.memory_space<hbm>> -> memref<1000001x64xf32, #tpu.memory_space<hbm>>
    tpu.enqueue_indirect_dma source(%dma_start3A_91 : memref<1000001x64xf32, #tpu.memory_space<hbm>>) target(%arg6 : memref<512x64xf32, #tpu.memory_space<vmem>>) offsets(%dma_start3A_88 : memref<512xi32, #tpu.memory_space<vmem>>) semaphore(%arg7 : memref<!tpu.dma_semaphore, #tpu.memory_space<semaphore_mem>>) {add = true}
    %dma_start3A_92 = arith.constant 12 : i32
    %dma_start3A_93 = arith.constant 0 : i32
    %dma_start3A_94 = tpu.memref_slice %arg5[%dma_start3A_92, %dma_start3A_93] : memref<50x512xi32, #tpu.memory_space<vmem>> -> memref<1x512xi32, #tpu.memory_space<vmem>>
    %dma_start3A_95 = tpu.memref_squeeze %dma_start3A_94 : memref<1x512xi32, #tpu.memory_space<vmem>> -> memref<512xi32, #tpu.memory_space<vmem>>
    %dma_start3A_96 = arith.constant 0 : i32
    %dma_start3A_97 = arith.constant 0 : i32
    %dma_start3A_98 = tpu.memref_slice %arg3[%dma_start3A_96, %dma_start3A_97] : memref<1000001x64xf32, #tpu.memory_space<hbm>> -> memref<1000001x64xf32, #tpu.memory_space<hbm>>
    tpu.enqueue_indirect_dma source(%dma_start3A_98 : memref<1000001x64xf32, #tpu.memory_space<hbm>>) target(%arg6 : memref<512x64xf32, #tpu.memory_space<vmem>>) offsets(%dma_start3A_95 : memref<512xi32, #tpu.memory_space<vmem>>) semaphore(%arg7 : memref<!tpu.dma_semaphore, #tpu.memory_space<semaphore_mem>>) {add = true}
    %dma_start3A_99 = arith.constant 13 : i32
    %dma_start3A_100 = arith.constant 0 : i32
    %dma_start3A_101 = tpu.memref_slice %arg5[%dma_start3A_99, %dma_start3A_100] : memref<50x512xi32, #tpu.memory_space<vmem>> -> memref<1x512xi32, #tpu.memory_space<vmem>>
    %dma_start3A_102 = tpu.memref_squeeze %dma_start3A_101 : memref<1x512xi32, #tpu.memory_space<vmem>> -> memref<512xi32, #tpu.memory_space<vmem>>
    %dma_start3A_103 = arith.constant 0 : i32
    %dma_start3A_104 = arith.constant 0 : i32
    %dma_start3A_105 = tpu.memref_slice %arg3[%dma_start3A_103, %dma_start3A_104] : memref<1000001x64xf32, #tpu.memory_space<hbm>> -> memref<1000001x64xf32, #tpu.memory_space<hbm>>
    tpu.enqueue_indirect_dma source(%dma_start3A_105 : memref<1000001x64xf32, #tpu.memory_space<hbm>>) target(%arg6 : memref<512x64xf32, #tpu.memory_space<vmem>>) offsets(%dma_start3A_102 : memref<512xi32, #tpu.memory_space<vmem>>) semaphore(%arg7 : memref<!tpu.dma_semaphore, #tpu.memory_space<semaphore_mem>>) {add = true}
    %dma_start3A_106 = arith.constant 14 : i32
    %dma_start3A_107 = arith.constant 0 : i32
    %dma_start3A_108 = tpu.memref_slice %arg5[%dma_start3A_106, %dma_start3A_107] : memref<50x512xi32, #tpu.memory_space<vmem>> -> memref<1x512xi32, #tpu.memory_space<vmem>>
    %dma_start3A_109 = tpu.memref_squeeze %dma_start3A_108 : memref<1x512xi32, #tpu.memory_space<vmem>> -> memref<512xi32, #tpu.memory_space<vmem>>
    %dma_start3A_110 = arith.constant 0 : i32
    %dma_start3A_111 = arith.constant 0 : i32
    %dma_start3A_112 = tpu.memref_slice %arg3[%dma_start3A_110, %dma_start3A_111] : memref<1000001x64xf32, #tpu.memory_space<hbm>> -> memref<1000001x64xf32, #tpu.memory_space<hbm>>
    tpu.enqueue_indirect_dma source(%dma_start3A_112 : memref<1000001x64xf32, #tpu.memory_space<hbm>>) target(%arg6 : memref<512x64xf32, #tpu.memory_space<vmem>>) offsets(%dma_start3A_109 : memref<512xi32, #tpu.memory_space<vmem>>) semaphore(%arg7 : memref<!tpu.dma_semaphore, #tpu.memory_space<semaphore_mem>>) {add = true}
    %dma_start3A_113 = arith.constant 15 : i32
    %dma_start3A_114 = arith.constant 0 : i32
    %dma_start3A_115 = tpu.memref_slice %arg5[%dma_start3A_113, %dma_start3A_114] : memref<50x512xi32, #tpu.memory_space<vmem>> -> memref<1x512xi32, #tpu.memory_space<vmem>>
    %dma_start3A_116 = tpu.memref_squeeze %dma_start3A_115 : memref<1x512xi32, #tpu.memory_space<vmem>> -> memref<512xi32, #tpu.memory_space<vmem>>
    %dma_start3A_117 = arith.constant 0 : i32
    %dma_start3A_118 = arith.constant 0 : i32
    %dma_start3A_119 = tpu.memref_slice %arg3[%dma_start3A_117, %dma_start3A_118] : memref<1000001x64xf32, #tpu.memory_space<hbm>> -> memref<1000001x64xf32, #tpu.memory_space<hbm>>
    tpu.enqueue_indirect_dma source(%dma_start3A_119 : memref<1000001x64xf32, #tpu.memory_space<hbm>>) target(%arg6 : memref<512x64xf32, #tpu.memory_space<vmem>>) offsets(%dma_start3A_116 : memref<512xi32, #tpu.memory_space<vmem>>) semaphore(%arg7 : memref<!tpu.dma_semaphore, #tpu.memory_space<semaphore_mem>>) {add = true}
    %dma_start3A_120 = arith.constant 16 : i32
    %dma_start3A_121 = arith.constant 0 : i32
    %dma_start3A_122 = tpu.memref_slice %arg5[%dma_start3A_120, %dma_start3A_121] : memref<50x512xi32, #tpu.memory_space<vmem>> -> memref<1x512xi32, #tpu.memory_space<vmem>>
    %dma_start3A_123 = tpu.memref_squeeze %dma_start3A_122 : memref<1x512xi32, #tpu.memory_space<vmem>> -> memref<512xi32, #tpu.memory_space<vmem>>
    %dma_start3A_124 = arith.constant 0 : i32
    %dma_start3A_125 = arith.constant 0 : i32
    %dma_start3A_126 = tpu.memref_slice %arg3[%dma_start3A_124, %dma_start3A_125] : memref<1000001x64xf32, #tpu.memory_space<hbm>> -> memref<1000001x64xf32, #tpu.memory_space<hbm>>
    tpu.enqueue_indirect_dma source(%dma_start3A_126 : memref<1000001x64xf32, #tpu.memory_space<hbm>>) target(%arg6 : memref<512x64xf32, #tpu.memory_space<vmem>>) offsets(%dma_start3A_123 : memref<512xi32, #tpu.memory_space<vmem>>) semaphore(%arg7 : memref<!tpu.dma_semaphore, #tpu.memory_space<semaphore_mem>>) {add = true}
    %dma_start3A_127 = arith.constant 17 : i32
    %dma_start3A_128 = arith.constant 0 : i32
    %dma_start3A_129 = tpu.memref_slice %arg5[%dma_start3A_127, %dma_start3A_128] : memref<50x512xi32, #tpu.memory_space<vmem>> -> memref<1x512xi32, #tpu.memory_space<vmem>>
    %dma_start3A_130 = tpu.memref_squeeze %dma_start3A_129 : memref<1x512xi32, #tpu.memory_space<vmem>> -> memref<512xi32, #tpu.memory_space<vmem>>
    %dma_start3A_131 = arith.constant 0 : i32
    %dma_start3A_132 = arith.constant 0 : i32
    %dma_start3A_133 = tpu.memref_slice %arg3[%dma_start3A_131, %dma_start3A_132] : memref<1000001x64xf32, #tpu.memory_space<hbm>> -> memref<1000001x64xf32, #tpu.memory_space<hbm>>
    tpu.enqueue_indirect_dma source(%dma_start3A_133 : memref<1000001x64xf32, #tpu.memory_space<hbm>>) target(%arg6 : memref<512x64xf32, #tpu.memory_space<vmem>>) offsets(%dma_start3A_130 : memref<512xi32, #tpu.memory_space<vmem>>) semaphore(%arg7 : memref<!tpu.dma_semaphore, #tpu.memory_space<semaphore_mem>>) {add = true}
    %dma_start3A_134 = arith.constant 18 : i32
    %dma_start3A_135 = arith.constant 0 : i32
    %dma_start3A_136 = tpu.memref_slice %arg5[%dma_start3A_134, %dma_start3A_135] : memref<50x512xi32, #tpu.memory_space<vmem>> -> memref<1x512xi32, #tpu.memory_space<vmem>>
    %dma_start3A_137 = tpu.memref_squeeze %dma_start3A_136 : memref<1x512xi32, #tpu.memory_space<vmem>> -> memref<512xi32, #tpu.memory_space<vmem>>
    %dma_start3A_138 = arith.constant 0 : i32
    %dma_start3A_139 = arith.constant 0 : i32
    %dma_start3A_140 = tpu.memref_slice %arg3[%dma_start3A_138, %dma_start3A_139] : memref<1000001x64xf32, #tpu.memory_space<hbm>> -> memref<1000001x64xf32, #tpu.memory_space<hbm>>
    tpu.enqueue_indirect_dma source(%dma_start3A_140 : memref<1000001x64xf32, #tpu.memory_space<hbm>>) target(%arg6 : memref<512x64xf32, #tpu.memory_space<vmem>>) offsets(%dma_start3A_137 : memref<512xi32, #tpu.memory_space<vmem>>) semaphore(%arg7 : memref<!tpu.dma_semaphore, #tpu.memory_space<semaphore_mem>>) {add = true}
    %dma_start3A_141 = arith.constant 19 : i32
    %dma_start3A_142 = arith.constant 0 : i32
    %dma_start3A_143 = tpu.memref_slice %arg5[%dma_start3A_141, %dma_start3A_142] : memref<50x512xi32, #tpu.memory_space<vmem>> -> memref<1x512xi32, #tpu.memory_space<vmem>>
    %dma_start3A_144 = tpu.memref_squeeze %dma_start3A_143 : memref<1x512xi32, #tpu.memory_space<vmem>> -> memref<512xi32, #tpu.memory_space<vmem>>
    %dma_start3A_145 = arith.constant 0 : i32
    %dma_start3A_146 = arith.constant 0 : i32
    %dma_start3A_147 = tpu.memref_slice %arg3[%dma_start3A_145, %dma_start3A_146] : memref<1000001x64xf32, #tpu.memory_space<hbm>> -> memref<1000001x64xf32, #tpu.memory_space<hbm>>
    tpu.enqueue_indirect_dma source(%dma_start3A_147 : memref<1000001x64xf32, #tpu.memory_space<hbm>>) target(%arg6 : memref<512x64xf32, #tpu.memory_space<vmem>>) offsets(%dma_start3A_144 : memref<512xi32, #tpu.memory_space<vmem>>) semaphore(%arg7 : memref<!tpu.dma_semaphore, #tpu.memory_space<semaphore_mem>>) {add = true}
    %dma_start3A_148 = arith.constant 20 : i32
    %dma_start3A_149 = arith.constant 0 : i32
    %dma_start3A_150 = tpu.memref_slice %arg5[%dma_start3A_148, %dma_start3A_149] : memref<50x512xi32, #tpu.memory_space<vmem>> -> memref<1x512xi32, #tpu.memory_space<vmem>>
    %dma_start3A_151 = tpu.memref_squeeze %dma_start3A_150 : memref<1x512xi32, #tpu.memory_space<vmem>> -> memref<512xi32, #tpu.memory_space<vmem>>
    %dma_start3A_152 = arith.constant 0 : i32
    %dma_start3A_153 = arith.constant 0 : i32
    %dma_start3A_154 = tpu.memref_slice %arg3[%dma_start3A_152, %dma_start3A_153] : memref<1000001x64xf32, #tpu.memory_space<hbm>> -> memref<1000001x64xf32, #tpu.memory_space<hbm>>
    tpu.enqueue_indirect_dma source(%dma_start3A_154 : memref<1000001x64xf32, #tpu.memory_space<hbm>>) target(%arg6 : memref<512x64xf32, #tpu.memory_space<vmem>>) offsets(%dma_start3A_151 : memref<512xi32, #tpu.memory_space<vmem>>) semaphore(%arg7 : memref<!tpu.dma_semaphore, #tpu.memory_space<semaphore_mem>>) {add = true}
    %dma_start3A_155 = arith.constant 21 : i32
    %dma_start3A_156 = arith.constant 0 : i32
    %dma_start3A_157 = tpu.memref_slice %arg5[%dma_start3A_155, %dma_start3A_156] : memref<50x512xi32, #tpu.memory_space<vmem>> -> memref<1x512xi32, #tpu.memory_space<vmem>>
    %dma_start3A_158 = tpu.memref_squeeze %dma_start3A_157 : memref<1x512xi32, #tpu.memory_space<vmem>> -> memref<512xi32, #tpu.memory_space<vmem>>
    %dma_start3A_159 = arith.constant 0 : i32
    %dma_start3A_160 = arith.constant 0 : i32
    %dma_start3A_161 = tpu.memref_slice %arg3[%dma_start3A_159, %dma_start3A_160] : memref<1000001x64xf32, #tpu.memory_space<hbm>> -> memref<1000001x64xf32, #tpu.memory_space<hbm>>
    tpu.enqueue_indirect_dma source(%dma_start3A_161 : memref<1000001x64xf32, #tpu.memory_space<hbm>>) target(%arg6 : memref<512x64xf32, #tpu.memory_space<vmem>>) offsets(%dma_start3A_158 : memref<512xi32, #tpu.memory_space<vmem>>) semaphore(%arg7 : memref<!tpu.dma_semaphore, #tpu.memory_space<semaphore_mem>>) {add = true}
    %dma_start3A_162 = arith.constant 22 : i32
    %dma_start3A_163 = arith.constant 0 : i32
    %dma_start3A_164 = tpu.memref_slice %arg5[%dma_start3A_162, %dma_start3A_163] : memref<50x512xi32, #tpu.memory_space<vmem>> -> memref<1x512xi32, #tpu.memory_space<vmem>>
    %dma_start3A_165 = tpu.memref_squeeze %dma_start3A_164 : memref<1x512xi32, #tpu.memory_space<vmem>> -> memref<512xi32, #tpu.memory_space<vmem>>
    %dma_start3A_166 = arith.constant 0 : i32
    %dma_start3A_167 = arith.constant 0 : i32
    %dma_start3A_168 = tpu.memref_slice %arg3[%dma_start3A_166, %dma_start3A_167] : memref<1000001x64xf32, #tpu.memory_space<hbm>> -> memref<1000001x64xf32, #tpu.memory_space<hbm>>
    tpu.enqueue_indirect_dma source(%dma_start3A_168 : memref<1000001x64xf32, #tpu.memory_space<hbm>>) target(%arg6 : memref<512x64xf32, #tpu.memory_space<vmem>>) offsets(%dma_start3A_165 : memref<512xi32, #tpu.memory_space<vmem>>) semaphore(%arg7 : memref<!tpu.dma_semaphore, #tpu.memory_space<semaphore_mem>>) {add = true}
    %dma_start3A_169 = arith.constant 23 : i32
    %dma_start3A_170 = arith.constant 0 : i32
    %dma_start3A_171 = tpu.memref_slice %arg5[%dma_start3A_169, %dma_start3A_170] : memref<50x512xi32, #tpu.memory_space<vmem>> -> memref<1x512xi32, #tpu.memory_space<vmem>>
    %dma_start3A_172 = tpu.memref_squeeze %dma_start3A_171 : memref<1x512xi32, #tpu.memory_space<vmem>> -> memref<512xi32, #tpu.memory_space<vmem>>
    %dma_start3A_173 = arith.constant 0 : i32
    %dma_start3A_174 = arith.constant 0 : i32
    %dma_start3A_175 = tpu.memref_slice %arg3[%dma_start3A_173, %dma_start3A_174] : memref<1000001x64xf32, #tpu.memory_space<hbm>> -> memref<1000001x64xf32, #tpu.memory_space<hbm>>
    tpu.enqueue_indirect_dma source(%dma_start3A_175 : memref<1000001x64xf32, #tpu.memory_space<hbm>>) target(%arg6 : memref<512x64xf32, #tpu.memory_space<vmem>>) offsets(%dma_start3A_172 : memref<512xi32, #tpu.memory_space<vmem>>) semaphore(%arg7 : memref<!tpu.dma_semaphore, #tpu.memory_space<semaphore_mem>>) {add = true}
    %dma_start3A_176 = arith.constant 24 : i32
    %dma_start3A_177 = arith.constant 0 : i32
    %dma_start3A_178 = tpu.memref_slice %arg5[%dma_start3A_176, %dma_start3A_177] : memref<50x512xi32, #tpu.memory_space<vmem>> -> memref<1x512xi32, #tpu.memory_space<vmem>>
    %dma_start3A_179 = tpu.memref_squeeze %dma_start3A_178 : memref<1x512xi32, #tpu.memory_space<vmem>> -> memref<512xi32, #tpu.memory_space<vmem>>
    %dma_start3A_180 = arith.constant 0 : i32
    %dma_start3A_181 = arith.constant 0 : i32
    %dma_start3A_182 = tpu.memref_slice %arg3[%dma_start3A_180, %dma_start3A_181] : memref<1000001x64xf32, #tpu.memory_space<hbm>> -> memref<1000001x64xf32, #tpu.memory_space<hbm>>
    tpu.enqueue_indirect_dma source(%dma_start3A_182 : memref<1000001x64xf32, #tpu.memory_space<hbm>>) target(%arg6 : memref<512x64xf32, #tpu.memory_space<vmem>>) offsets(%dma_start3A_179 : memref<512xi32, #tpu.memory_space<vmem>>) semaphore(%arg7 : memref<!tpu.dma_semaphore, #tpu.memory_space<semaphore_mem>>) {add = true}
    %dma_start3A_183 = arith.constant 25 : i32
    %dma_start3A_184 = arith.constant 0 : i32
    %dma_start3A_185 = tpu.memref_slice %arg5[%dma_start3A_183, %dma_start3A_184] : memref<50x512xi32, #tpu.memory_space<vmem>> -> memref<1x512xi32, #tpu.memory_space<vmem>>
    %dma_start3A_186 = tpu.memref_squeeze %dma_start3A_185 : memref<1x512xi32, #tpu.memory_space<vmem>> -> memref<512xi32, #tpu.memory_space<vmem>>
    %dma_start3A_187 = arith.constant 0 : i32
    %dma_start3A_188 = arith.constant 0 : i32
    %dma_start3A_189 = tpu.memref_slice %arg3[%dma_start3A_187, %dma_start3A_188] : memref<1000001x64xf32, #tpu.memory_space<hbm>> -> memref<1000001x64xf32, #tpu.memory_space<hbm>>
    tpu.enqueue_indirect_dma source(%dma_start3A_189 : memref<1000001x64xf32, #tpu.memory_space<hbm>>) target(%arg6 : memref<512x64xf32, #tpu.memory_space<vmem>>) offsets(%dma_start3A_186 : memref<512xi32, #tpu.memory_space<vmem>>) semaphore(%arg7 : memref<!tpu.dma_semaphore, #tpu.memory_space<semaphore_mem>>) {add = true}
    %dma_start3A_190 = arith.constant 26 : i32
    %dma_start3A_191 = arith.constant 0 : i32
    %dma_start3A_192 = tpu.memref_slice %arg5[%dma_start3A_190, %dma_start3A_191] : memref<50x512xi32, #tpu.memory_space<vmem>> -> memref<1x512xi32, #tpu.memory_space<vmem>>
    %dma_start3A_193 = tpu.memref_squeeze %dma_start3A_192 : memref<1x512xi32, #tpu.memory_space<vmem>> -> memref<512xi32, #tpu.memory_space<vmem>>
    %dma_start3A_194 = arith.constant 0 : i32
    %dma_start3A_195 = arith.constant 0 : i32
    %dma_start3A_196 = tpu.memref_slice %arg3[%dma_start3A_194, %dma_start3A_195] : memref<1000001x64xf32, #tpu.memory_space<hbm>> -> memref<1000001x64xf32, #tpu.memory_space<hbm>>
    tpu.enqueue_indirect_dma source(%dma_start3A_196 : memref<1000001x64xf32, #tpu.memory_space<hbm>>) target(%arg6 : memref<512x64xf32, #tpu.memory_space<vmem>>) offsets(%dma_start3A_193 : memref<512xi32, #tpu.memory_space<vmem>>) semaphore(%arg7 : memref<!tpu.dma_semaphore, #tpu.memory_space<semaphore_mem>>) {add = true}
    %dma_start3A_197 = arith.constant 27 : i32
    %dma_start3A_198 = arith.constant 0 : i32
    %dma_start3A_199 = tpu.memref_slice %arg5[%dma_start3A_197, %dma_start3A_198] : memref<50x512xi32, #tpu.memory_space<vmem>> -> memref<1x512xi32, #tpu.memory_space<vmem>>
    %dma_start3A_200 = tpu.memref_squeeze %dma_start3A_199 : memref<1x512xi32, #tpu.memory_space<vmem>> -> memref<512xi32, #tpu.memory_space<vmem>>
    %dma_start3A_201 = arith.constant 0 : i32
    %dma_start3A_202 = arith.constant 0 : i32
    %dma_start3A_203 = tpu.memref_slice %arg3[%dma_start3A_201, %dma_start3A_202] : memref<1000001x64xf32, #tpu.memory_space<hbm>> -> memref<1000001x64xf32, #tpu.memory_space<hbm>>
    tpu.enqueue_indirect_dma source(%dma_start3A_203 : memref<1000001x64xf32, #tpu.memory_space<hbm>>) target(%arg6 : memref<512x64xf32, #tpu.memory_space<vmem>>) offsets(%dma_start3A_200 : memref<512xi32, #tpu.memory_space<vmem>>) semaphore(%arg7 : memref<!tpu.dma_semaphore, #tpu.memory_space<semaphore_mem>>) {add = true}
    %dma_start3A_204 = arith.constant 28 : i32
    %dma_start3A_205 = arith.constant 0 : i32
    %dma_start3A_206 = tpu.memref_slice %arg5[%dma_start3A_204, %dma_start3A_205] : memref<50x512xi32, #tpu.memory_space<vmem>> -> memref<1x512xi32, #tpu.memory_space<vmem>>
    %dma_start3A_207 = tpu.memref_squeeze %dma_start3A_206 : memref<1x512xi32, #tpu.memory_space<vmem>> -> memref<512xi32, #tpu.memory_space<vmem>>
    %dma_start3A_208 = arith.constant 0 : i32
    %dma_start3A_209 = arith.constant 0 : i32
    %dma_start3A_210 = tpu.memref_slice %arg3[%dma_start3A_208, %dma_start3A_209] : memref<1000001x64xf32, #tpu.memory_space<hbm>> -> memref<1000001x64xf32, #tpu.memory_space<hbm>>
    tpu.enqueue_indirect_dma source(%dma_start3A_210 : memref<1000001x64xf32, #tpu.memory_space<hbm>>) target(%arg6 : memref<512x64xf32, #tpu.memory_space<vmem>>) offsets(%dma_start3A_207 : memref<512xi32, #tpu.memory_space<vmem>>) semaphore(%arg7 : memref<!tpu.dma_semaphore, #tpu.memory_space<semaphore_mem>>) {add = true}
    %dma_start3A_211 = arith.constant 29 : i32
    %dma_start3A_212 = arith.constant 0 : i32
    %dma_start3A_213 = tpu.memref_slice %arg5[%dma_start3A_211, %dma_start3A_212] : memref<50x512xi32, #tpu.memory_space<vmem>> -> memref<1x512xi32, #tpu.memory_space<vmem>>
    %dma_start3A_214 = tpu.memref_squeeze %dma_start3A_213 : memref<1x512xi32, #tpu.memory_space<vmem>> -> memref<512xi32, #tpu.memory_space<vmem>>
    %dma_start3A_215 = arith.constant 0 : i32
    %dma_start3A_216 = arith.constant 0 : i32
    %dma_start3A_217 = tpu.memref_slice %arg3[%dma_start3A_215, %dma_start3A_216] : memref<1000001x64xf32, #tpu.memory_space<hbm>> -> memref<1000001x64xf32, #tpu.memory_space<hbm>>
    tpu.enqueue_indirect_dma source(%dma_start3A_217 : memref<1000001x64xf32, #tpu.memory_space<hbm>>) target(%arg6 : memref<512x64xf32, #tpu.memory_space<vmem>>) offsets(%dma_start3A_214 : memref<512xi32, #tpu.memory_space<vmem>>) semaphore(%arg7 : memref<!tpu.dma_semaphore, #tpu.memory_space<semaphore_mem>>) {add = true}
    %dma_start3A_218 = arith.constant 30 : i32
    %dma_start3A_219 = arith.constant 0 : i32
    %dma_start3A_220 = tpu.memref_slice %arg5[%dma_start3A_218, %dma_start3A_219] : memref<50x512xi32, #tpu.memory_space<vmem>> -> memref<1x512xi32, #tpu.memory_space<vmem>>
    %dma_start3A_221 = tpu.memref_squeeze %dma_start3A_220 : memref<1x512xi32, #tpu.memory_space<vmem>> -> memref<512xi32, #tpu.memory_space<vmem>>
    %dma_start3A_222 = arith.constant 0 : i32
    %dma_start3A_223 = arith.constant 0 : i32
    %dma_start3A_224 = tpu.memref_slice %arg3[%dma_start3A_222, %dma_start3A_223] : memref<1000001x64xf32, #tpu.memory_space<hbm>> -> memref<1000001x64xf32, #tpu.memory_space<hbm>>
    tpu.enqueue_indirect_dma source(%dma_start3A_224 : memref<1000001x64xf32, #tpu.memory_space<hbm>>) target(%arg6 : memref<512x64xf32, #tpu.memory_space<vmem>>) offsets(%dma_start3A_221 : memref<512xi32, #tpu.memory_space<vmem>>) semaphore(%arg7 : memref<!tpu.dma_semaphore, #tpu.memory_space<semaphore_mem>>) {add = true}
    %dma_start3A_225 = arith.constant 31 : i32
    %dma_start3A_226 = arith.constant 0 : i32
    %dma_start3A_227 = tpu.memref_slice %arg5[%dma_start3A_225, %dma_start3A_226] : memref<50x512xi32, #tpu.memory_space<vmem>> -> memref<1x512xi32, #tpu.memory_space<vmem>>
    %dma_start3A_228 = tpu.memref_squeeze %dma_start3A_227 : memref<1x512xi32, #tpu.memory_space<vmem>> -> memref<512xi32, #tpu.memory_space<vmem>>
    %dma_start3A_229 = arith.constant 0 : i32
    %dma_start3A_230 = arith.constant 0 : i32
    %dma_start3A_231 = tpu.memref_slice %arg3[%dma_start3A_229, %dma_start3A_230] : memref<1000001x64xf32, #tpu.memory_space<hbm>> -> memref<1000001x64xf32, #tpu.memory_space<hbm>>
    tpu.enqueue_indirect_dma source(%dma_start3A_231 : memref<1000001x64xf32, #tpu.memory_space<hbm>>) target(%arg6 : memref<512x64xf32, #tpu.memory_space<vmem>>) offsets(%dma_start3A_228 : memref<512xi32, #tpu.memory_space<vmem>>) semaphore(%arg7 : memref<!tpu.dma_semaphore, #tpu.memory_space<semaphore_mem>>) {add = true}
    %dma_start3A_232 = arith.constant 32 : i32
    %dma_start3A_233 = arith.constant 0 : i32
    %dma_start3A_234 = tpu.memref_slice %arg5[%dma_start3A_232, %dma_start3A_233] : memref<50x512xi32, #tpu.memory_space<vmem>> -> memref<1x512xi32, #tpu.memory_space<vmem>>
    %dma_start3A_235 = tpu.memref_squeeze %dma_start3A_234 : memref<1x512xi32, #tpu.memory_space<vmem>> -> memref<512xi32, #tpu.memory_space<vmem>>
    %dma_start3A_236 = arith.constant 0 : i32
    %dma_start3A_237 = arith.constant 0 : i32
    %dma_start3A_238 = tpu.memref_slice %arg3[%dma_start3A_236, %dma_start3A_237] : memref<1000001x64xf32, #tpu.memory_space<hbm>> -> memref<1000001x64xf32, #tpu.memory_space<hbm>>
    tpu.enqueue_indirect_dma source(%dma_start3A_238 : memref<1000001x64xf32, #tpu.memory_space<hbm>>) target(%arg6 : memref<512x64xf32, #tpu.memory_space<vmem>>) offsets(%dma_start3A_235 : memref<512xi32, #tpu.memory_space<vmem>>) semaphore(%arg7 : memref<!tpu.dma_semaphore, #tpu.memory_space<semaphore_mem>>) {add = true}
    %dma_start3A_239 = arith.constant 33 : i32
    %dma_start3A_240 = arith.constant 0 : i32
    %dma_start3A_241 = tpu.memref_slice %arg5[%dma_start3A_239, %dma_start3A_240] : memref<50x512xi32, #tpu.memory_space<vmem>> -> memref<1x512xi32, #tpu.memory_space<vmem>>
    %dma_start3A_242 = tpu.memref_squeeze %dma_start3A_241 : memref<1x512xi32, #tpu.memory_space<vmem>> -> memref<512xi32, #tpu.memory_space<vmem>>
    %dma_start3A_243 = arith.constant 0 : i32
    %dma_start3A_244 = arith.constant 0 : i32
    %dma_start3A_245 = tpu.memref_slice %arg3[%dma_start3A_243, %dma_start3A_244] : memref<1000001x64xf32, #tpu.memory_space<hbm>> -> memref<1000001x64xf32, #tpu.memory_space<hbm>>
    tpu.enqueue_indirect_dma source(%dma_start3A_245 : memref<1000001x64xf32, #tpu.memory_space<hbm>>) target(%arg6 : memref<512x64xf32, #tpu.memory_space<vmem>>) offsets(%dma_start3A_242 : memref<512xi32, #tpu.memory_space<vmem>>) semaphore(%arg7 : memref<!tpu.dma_semaphore, #tpu.memory_space<semaphore_mem>>) {add = true}
    %dma_start3A_246 = arith.constant 34 : i32
    %dma_start3A_247 = arith.constant 0 : i32
    %dma_start3A_248 = tpu.memref_slice %arg5[%dma_start3A_246, %dma_start3A_247] : memref<50x512xi32, #tpu.memory_space<vmem>> -> memref<1x512xi32, #tpu.memory_space<vmem>>
    %dma_start3A_249 = tpu.memref_squeeze %dma_start3A_248 : memref<1x512xi32, #tpu.memory_space<vmem>> -> memref<512xi32, #tpu.memory_space<vmem>>
    %dma_start3A_250 = arith.constant 0 : i32
    %dma_start3A_251 = arith.constant 0 : i32
    %dma_start3A_252 = tpu.memref_slice %arg3[%dma_start3A_250, %dma_start3A_251] : memref<1000001x64xf32, #tpu.memory_space<hbm>> -> memref<1000001x64xf32, #tpu.memory_space<hbm>>
    tpu.enqueue_indirect_dma source(%dma_start3A_252 : memref<1000001x64xf32, #tpu.memory_space<hbm>>) target(%arg6 : memref<512x64xf32, #tpu.memory_space<vmem>>) offsets(%dma_start3A_249 : memref<512xi32, #tpu.memory_space<vmem>>) semaphore(%arg7 : memref<!tpu.dma_semaphore, #tpu.memory_space<semaphore_mem>>) {add = true}
    %dma_start3A_253 = arith.constant 35 : i32
    %dma_start3A_254 = arith.constant 0 : i32
    %dma_start3A_255 = tpu.memref_slice %arg5[%dma_start3A_253, %dma_start3A_254] : memref<50x512xi32, #tpu.memory_space<vmem>> -> memref<1x512xi32, #tpu.memory_space<vmem>>
    %dma_start3A_256 = tpu.memref_squeeze %dma_start3A_255 : memref<1x512xi32, #tpu.memory_space<vmem>> -> memref<512xi32, #tpu.memory_space<vmem>>
    %dma_start3A_257 = arith.constant 0 : i32
    %dma_start3A_258 = arith.constant 0 : i32
    %dma_start3A_259 = tpu.memref_slice %arg3[%dma_start3A_257, %dma_start3A_258] : memref<1000001x64xf32, #tpu.memory_space<hbm>> -> memref<1000001x64xf32, #tpu.memory_space<hbm>>
    tpu.enqueue_indirect_dma source(%dma_start3A_259 : memref<1000001x64xf32, #tpu.memory_space<hbm>>) target(%arg6 : memref<512x64xf32, #tpu.memory_space<vmem>>) offsets(%dma_start3A_256 : memref<512xi32, #tpu.memory_space<vmem>>) semaphore(%arg7 : memref<!tpu.dma_semaphore, #tpu.memory_space<semaphore_mem>>) {add = true}
    %dma_start3A_260 = arith.constant 36 : i32
    %dma_start3A_261 = arith.constant 0 : i32
    %dma_start3A_262 = tpu.memref_slice %arg5[%dma_start3A_260, %dma_start3A_261] : memref<50x512xi32, #tpu.memory_space<vmem>> -> memref<1x512xi32, #tpu.memory_space<vmem>>
    %dma_start3A_263 = tpu.memref_squeeze %dma_start3A_262 : memref<1x512xi32, #tpu.memory_space<vmem>> -> memref<512xi32, #tpu.memory_space<vmem>>
    %dma_start3A_264 = arith.constant 0 : i32
    %dma_start3A_265 = arith.constant 0 : i32
    %dma_start3A_266 = tpu.memref_slice %arg3[%dma_start3A_264, %dma_start3A_265] : memref<1000001x64xf32, #tpu.memory_space<hbm>> -> memref<1000001x64xf32, #tpu.memory_space<hbm>>
    tpu.enqueue_indirect_dma source(%dma_start3A_266 : memref<1000001x64xf32, #tpu.memory_space<hbm>>) target(%arg6 : memref<512x64xf32, #tpu.memory_space<vmem>>) offsets(%dma_start3A_263 : memref<512xi32, #tpu.memory_space<vmem>>) semaphore(%arg7 : memref<!tpu.dma_semaphore, #tpu.memory_space<semaphore_mem>>) {add = true}
    %dma_start3A_267 = arith.constant 37 : i32
    %dma_start3A_268 = arith.constant 0 : i32
    %dma_start3A_269 = tpu.memref_slice %arg5[%dma_start3A_267, %dma_start3A_268] : memref<50x512xi32, #tpu.memory_space<vmem>> -> memref<1x512xi32, #tpu.memory_space<vmem>>
    %dma_start3A_270 = tpu.memref_squeeze %dma_start3A_269 : memref<1x512xi32, #tpu.memory_space<vmem>> -> memref<512xi32, #tpu.memory_space<vmem>>
    %dma_start3A_271 = arith.constant 0 : i32
    %dma_start3A_272 = arith.constant 0 : i32
    %dma_start3A_273 = tpu.memref_slice %arg3[%dma_start3A_271, %dma_start3A_272] : memref<1000001x64xf32, #tpu.memory_space<hbm>> -> memref<1000001x64xf32, #tpu.memory_space<hbm>>
    tpu.enqueue_indirect_dma source(%dma_start3A_273 : memref<1000001x64xf32, #tpu.memory_space<hbm>>) target(%arg6 : memref<512x64xf32, #tpu.memory_space<vmem>>) offsets(%dma_start3A_270 : memref<512xi32, #tpu.memory_space<vmem>>) semaphore(%arg7 : memref<!tpu.dma_semaphore, #tpu.memory_space<semaphore_mem>>) {add = true}
    %dma_start3A_274 = arith.constant 38 : i32
    %dma_start3A_275 = arith.constant 0 : i32
    %dma_start3A_276 = tpu.memref_slice %arg5[%dma_start3A_274, %dma_start3A_275] : memref<50x512xi32, #tpu.memory_space<vmem>> -> memref<1x512xi32, #tpu.memory_space<vmem>>
    %dma_start3A_277 = tpu.memref_squeeze %dma_start3A_276 : memref<1x512xi32, #tpu.memory_space<vmem>> -> memref<512xi32, #tpu.memory_space<vmem>>
    %dma_start3A_278 = arith.constant 0 : i32
    %dma_start3A_279 = arith.constant 0 : i32
    %dma_start3A_280 = tpu.memref_slice %arg3[%dma_start3A_278, %dma_start3A_279] : memref<1000001x64xf32, #tpu.memory_space<hbm>> -> memref<1000001x64xf32, #tpu.memory_space<hbm>>
    tpu.enqueue_indirect_dma source(%dma_start3A_280 : memref<1000001x64xf32, #tpu.memory_space<hbm>>) target(%arg6 : memref<512x64xf32, #tpu.memory_space<vmem>>) offsets(%dma_start3A_277 : memref<512xi32, #tpu.memory_space<vmem>>) semaphore(%arg7 : memref<!tpu.dma_semaphore, #tpu.memory_space<semaphore_mem>>) {add = true}
    %dma_start3A_281 = arith.constant 39 : i32
    %dma_start3A_282 = arith.constant 0 : i32
    %dma_start3A_283 = tpu.memref_slice %arg5[%dma_start3A_281, %dma_start3A_282] : memref<50x512xi32, #tpu.memory_space<vmem>> -> memref<1x512xi32, #tpu.memory_space<vmem>>
    %dma_start3A_284 = tpu.memref_squeeze %dma_start3A_283 : memref<1x512xi32, #tpu.memory_space<vmem>> -> memref<512xi32, #tpu.memory_space<vmem>>
    %dma_start3A_285 = arith.constant 0 : i32
    %dma_start3A_286 = arith.constant 0 : i32
    %dma_start3A_287 = tpu.memref_slice %arg3[%dma_start3A_285, %dma_start3A_286] : memref<1000001x64xf32, #tpu.memory_space<hbm>> -> memref<1000001x64xf32, #tpu.memory_space<hbm>>
    tpu.enqueue_indirect_dma source(%dma_start3A_287 : memref<1000001x64xf32, #tpu.memory_space<hbm>>) target(%arg6 : memref<512x64xf32, #tpu.memory_space<vmem>>) offsets(%dma_start3A_284 : memref<512xi32, #tpu.memory_space<vmem>>) semaphore(%arg7 : memref<!tpu.dma_semaphore, #tpu.memory_space<semaphore_mem>>) {add = true}
    %dma_start3A_288 = arith.constant 40 : i32
    %dma_start3A_289 = arith.constant 0 : i32
    %dma_start3A_290 = tpu.memref_slice %arg5[%dma_start3A_288, %dma_start3A_289] : memref<50x512xi32, #tpu.memory_space<vmem>> -> memref<1x512xi32, #tpu.memory_space<vmem>>
    %dma_start3A_291 = tpu.memref_squeeze %dma_start3A_290 : memref<1x512xi32, #tpu.memory_space<vmem>> -> memref<512xi32, #tpu.memory_space<vmem>>
    %dma_start3A_292 = arith.constant 0 : i32
    %dma_start3A_293 = arith.constant 0 : i32
    %dma_start3A_294 = tpu.memref_slice %arg3[%dma_start3A_292, %dma_start3A_293] : memref<1000001x64xf32, #tpu.memory_space<hbm>> -> memref<1000001x64xf32, #tpu.memory_space<hbm>>
    tpu.enqueue_indirect_dma source(%dma_start3A_294 : memref<1000001x64xf32, #tpu.memory_space<hbm>>) target(%arg6 : memref<512x64xf32, #tpu.memory_space<vmem>>) offsets(%dma_start3A_291 : memref<512xi32, #tpu.memory_space<vmem>>) semaphore(%arg7 : memref<!tpu.dma_semaphore, #tpu.memory_space<semaphore_mem>>) {add = true}
    %dma_start3A_295 = arith.constant 41 : i32
    %dma_start3A_296 = arith.constant 0 : i32
    %dma_start3A_297 = tpu.memref_slice %arg5[%dma_start3A_295, %dma_start3A_296] : memref<50x512xi32, #tpu.memory_space<vmem>> -> memref<1x512xi32, #tpu.memory_space<vmem>>
    %dma_start3A_298 = tpu.memref_squeeze %dma_start3A_297 : memref<1x512xi32, #tpu.memory_space<vmem>> -> memref<512xi32, #tpu.memory_space<vmem>>
    %dma_start3A_299 = arith.constant 0 : i32
    %dma_start3A_300 = arith.constant 0 : i32
    %dma_start3A_301 = tpu.memref_slice %arg3[%dma_start3A_299, %dma_start3A_300] : memref<1000001x64xf32, #tpu.memory_space<hbm>> -> memref<1000001x64xf32, #tpu.memory_space<hbm>>
    tpu.enqueue_indirect_dma source(%dma_start3A_301 : memref<1000001x64xf32, #tpu.memory_space<hbm>>) target(%arg6 : memref<512x64xf32, #tpu.memory_space<vmem>>) offsets(%dma_start3A_298 : memref<512xi32, #tpu.memory_space<vmem>>) semaphore(%arg7 : memref<!tpu.dma_semaphore, #tpu.memory_space<semaphore_mem>>) {add = true}
    %dma_start3A_302 = arith.constant 42 : i32
    %dma_start3A_303 = arith.constant 0 : i32
    %dma_start3A_304 = tpu.memref_slice %arg5[%dma_start3A_302, %dma_start3A_303] : memref<50x512xi32, #tpu.memory_space<vmem>> -> memref<1x512xi32, #tpu.memory_space<vmem>>
    %dma_start3A_305 = tpu.memref_squeeze %dma_start3A_304 : memref<1x512xi32, #tpu.memory_space<vmem>> -> memref<512xi32, #tpu.memory_space<vmem>>
    %dma_start3A_306 = arith.constant 0 : i32
    %dma_start3A_307 = arith.constant 0 : i32
    %dma_start3A_308 = tpu.memref_slice %arg3[%dma_start3A_306, %dma_start3A_307] : memref<1000001x64xf32, #tpu.memory_space<hbm>> -> memref<1000001x64xf32, #tpu.memory_space<hbm>>
    tpu.enqueue_indirect_dma source(%dma_start3A_308 : memref<1000001x64xf32, #tpu.memory_space<hbm>>) target(%arg6 : memref<512x64xf32, #tpu.memory_space<vmem>>) offsets(%dma_start3A_305 : memref<512xi32, #tpu.memory_space<vmem>>) semaphore(%arg7 : memref<!tpu.dma_semaphore, #tpu.memory_space<semaphore_mem>>) {add = true}
    %dma_start3A_309 = arith.constant 43 : i32
    %dma_start3A_310 = arith.constant 0 : i32
    %dma_start3A_311 = tpu.memref_slice %arg5[%dma_start3A_309, %dma_start3A_310] : memref<50x512xi32, #tpu.memory_space<vmem>> -> memref<1x512xi32, #tpu.memory_space<vmem>>
    %dma_start3A_312 = tpu.memref_squeeze %dma_start3A_311 : memref<1x512xi32, #tpu.memory_space<vmem>> -> memref<512xi32, #tpu.memory_space<vmem>>
    %dma_start3A_313 = arith.constant 0 : i32
    %dma_start3A_314 = arith.constant 0 : i32
    %dma_start3A_315 = tpu.memref_slice %arg3[%dma_start3A_313, %dma_start3A_314] : memref<1000001x64xf32, #tpu.memory_space<hbm>> -> memref<1000001x64xf32, #tpu.memory_space<hbm>>
    tpu.enqueue_indirect_dma source(%dma_start3A_315 : memref<1000001x64xf32, #tpu.memory_space<hbm>>) target(%arg6 : memref<512x64xf32, #tpu.memory_space<vmem>>) offsets(%dma_start3A_312 : memref<512xi32, #tpu.memory_space<vmem>>) semaphore(%arg7 : memref<!tpu.dma_semaphore, #tpu.memory_space<semaphore_mem>>) {add = true}
    %dma_start3A_316 = arith.constant 44 : i32
    %dma_start3A_317 = arith.constant 0 : i32
    %dma_start3A_318 = tpu.memref_slice %arg5[%dma_start3A_316, %dma_start3A_317] : memref<50x512xi32, #tpu.memory_space<vmem>> -> memref<1x512xi32, #tpu.memory_space<vmem>>
    %dma_start3A_319 = tpu.memref_squeeze %dma_start3A_318 : memref<1x512xi32, #tpu.memory_space<vmem>> -> memref<512xi32, #tpu.memory_space<vmem>>
    %dma_start3A_320 = arith.constant 0 : i32
    %dma_start3A_321 = arith.constant 0 : i32
    %dma_start3A_322 = tpu.memref_slice %arg3[%dma_start3A_320, %dma_start3A_321] : memref<1000001x64xf32, #tpu.memory_space<hbm>> -> memref<1000001x64xf32, #tpu.memory_space<hbm>>
    tpu.enqueue_indirect_dma source(%dma_start3A_322 : memref<1000001x64xf32, #tpu.memory_space<hbm>>) target(%arg6 : memref<512x64xf32, #tpu.memory_space<vmem>>) offsets(%dma_start3A_319 : memref<512xi32, #tpu.memory_space<vmem>>) semaphore(%arg7 : memref<!tpu.dma_semaphore, #tpu.memory_space<semaphore_mem>>) {add = true}
    %dma_start3A_323 = arith.constant 45 : i32
    %dma_start3A_324 = arith.constant 0 : i32
    %dma_start3A_325 = tpu.memref_slice %arg5[%dma_start3A_323, %dma_start3A_324] : memref<50x512xi32, #tpu.memory_space<vmem>> -> memref<1x512xi32, #tpu.memory_space<vmem>>
    %dma_start3A_326 = tpu.memref_squeeze %dma_start3A_325 : memref<1x512xi32, #tpu.memory_space<vmem>> -> memref<512xi32, #tpu.memory_space<vmem>>
    %dma_start3A_327 = arith.constant 0 : i32
    %dma_start3A_328 = arith.constant 0 : i32
    %dma_start3A_329 = tpu.memref_slice %arg3[%dma_start3A_327, %dma_start3A_328] : memref<1000001x64xf32, #tpu.memory_space<hbm>> -> memref<1000001x64xf32, #tpu.memory_space<hbm>>
    tpu.enqueue_indirect_dma source(%dma_start3A_329 : memref<1000001x64xf32, #tpu.memory_space<hbm>>) target(%arg6 : memref<512x64xf32, #tpu.memory_space<vmem>>) offsets(%dma_start3A_326 : memref<512xi32, #tpu.memory_space<vmem>>) semaphore(%arg7 : memref<!tpu.dma_semaphore, #tpu.memory_space<semaphore_mem>>) {add = true}
    %dma_start3A_330 = arith.constant 46 : i32
    %dma_start3A_331 = arith.constant 0 : i32
    %dma_start3A_332 = tpu.memref_slice %arg5[%dma_start3A_330, %dma_start3A_331] : memref<50x512xi32, #tpu.memory_space<vmem>> -> memref<1x512xi32, #tpu.memory_space<vmem>>
    %dma_start3A_333 = tpu.memref_squeeze %dma_start3A_332 : memref<1x512xi32, #tpu.memory_space<vmem>> -> memref<512xi32, #tpu.memory_space<vmem>>
    %dma_start3A_334 = arith.constant 0 : i32
    %dma_start3A_335 = arith.constant 0 : i32
    %dma_start3A_336 = tpu.memref_slice %arg3[%dma_start3A_334, %dma_start3A_335] : memref<1000001x64xf32, #tpu.memory_space<hbm>> -> memref<1000001x64xf32, #tpu.memory_space<hbm>>
    tpu.enqueue_indirect_dma source(%dma_start3A_336 : memref<1000001x64xf32, #tpu.memory_space<hbm>>) target(%arg6 : memref<512x64xf32, #tpu.memory_space<vmem>>) offsets(%dma_start3A_333 : memref<512xi32, #tpu.memory_space<vmem>>) semaphore(%arg7 : memref<!tpu.dma_semaphore, #tpu.memory_space<semaphore_mem>>) {add = true}
    %dma_start3A_337 = arith.constant 47 : i32
    %dma_start3A_338 = arith.constant 0 : i32
    %dma_start3A_339 = tpu.memref_slice %arg5[%dma_start3A_337, %dma_start3A_338] : memref<50x512xi32, #tpu.memory_space<vmem>> -> memref<1x512xi32, #tpu.memory_space<vmem>>
    %dma_start3A_340 = tpu.memref_squeeze %dma_start3A_339 : memref<1x512xi32, #tpu.memory_space<vmem>> -> memref<512xi32, #tpu.memory_space<vmem>>
    %dma_start3A_341 = arith.constant 0 : i32
    %dma_start3A_342 = arith.constant 0 : i32
    %dma_start3A_343 = tpu.memref_slice %arg3[%dma_start3A_341, %dma_start3A_342] : memref<1000001x64xf32, #tpu.memory_space<hbm>> -> memref<1000001x64xf32, #tpu.memory_space<hbm>>
    tpu.enqueue_indirect_dma source(%dma_start3A_343 : memref<1000001x64xf32, #tpu.memory_space<hbm>>) target(%arg6 : memref<512x64xf32, #tpu.memory_space<vmem>>) offsets(%dma_start3A_340 : memref<512xi32, #tpu.memory_space<vmem>>) semaphore(%arg7 : memref<!tpu.dma_semaphore, #tpu.memory_space<semaphore_mem>>) {add = true}
    %dma_start3A_344 = arith.constant 48 : i32
    %dma_start3A_345 = arith.constant 0 : i32
    %dma_start3A_346 = tpu.memref_slice %arg5[%dma_start3A_344, %dma_start3A_345] : memref<50x512xi32, #tpu.memory_space<vmem>> -> memref<1x512xi32, #tpu.memory_space<vmem>>
    %dma_start3A_347 = tpu.memref_squeeze %dma_start3A_346 : memref<1x512xi32, #tpu.memory_space<vmem>> -> memref<512xi32, #tpu.memory_space<vmem>>
    %dma_start3A_348 = arith.constant 0 : i32
    %dma_start3A_349 = arith.constant 0 : i32
    %dma_start3A_350 = tpu.memref_slice %arg3[%dma_start3A_348, %dma_start3A_349] : memref<1000001x64xf32, #tpu.memory_space<hbm>> -> memref<1000001x64xf32, #tpu.memory_space<hbm>>
    tpu.enqueue_indirect_dma source(%dma_start3A_350 : memref<1000001x64xf32, #tpu.memory_space<hbm>>) target(%arg6 : memref<512x64xf32, #tpu.memory_space<vmem>>) offsets(%dma_start3A_347 : memref<512xi32, #tpu.memory_space<vmem>>) semaphore(%arg7 : memref<!tpu.dma_semaphore, #tpu.memory_space<semaphore_mem>>) {add = true}
    %dma_start3A_351 = arith.constant 49 : i32
    %dma_start3A_352 = arith.constant 0 : i32
    %dma_start3A_353 = tpu.memref_slice %arg5[%dma_start3A_351, %dma_start3A_352] : memref<50x512xi32, #tpu.memory_space<vmem>> -> memref<1x512xi32, #tpu.memory_space<vmem>>
    %dma_start3A_354 = tpu.memref_squeeze %dma_start3A_353 : memref<1x512xi32, #tpu.memory_space<vmem>> -> memref<512xi32, #tpu.memory_space<vmem>>
    %dma_start3A_355 = arith.constant 0 : i32
    %dma_start3A_356 = arith.constant 0 : i32
    %dma_start3A_357 = tpu.memref_slice %arg3[%dma_start3A_355, %dma_start3A_356] : memref<1000001x64xf32, #tpu.memory_space<hbm>> -> memref<1000001x64xf32, #tpu.memory_space<hbm>>
    tpu.enqueue_indirect_dma source(%dma_start3A_357 : memref<1000001x64xf32, #tpu.memory_space<hbm>>) target(%arg6 : memref<512x64xf32, #tpu.memory_space<vmem>>) offsets(%dma_start3A_354 : memref<512xi32, #tpu.memory_space<vmem>>) semaphore(%arg7 : memref<!tpu.dma_semaphore, #tpu.memory_space<semaphore_mem>>) {add = true}
    %dma_wait3A = arith.constant 0 : i32
    %dma_wait3A_358 = arith.constant 0 : i32
    %dma_wait3A_359 = tpu.memref_slice %arg5[%dma_wait3A, %dma_wait3A_358] : memref<50x512xi32, #tpu.memory_space<vmem>> -> memref<1x512xi32, #tpu.memory_space<vmem>>
    %dma_wait3A_360 = tpu.memref_squeeze %dma_wait3A_359 : memref<1x512xi32, #tpu.memory_space<vmem>> -> memref<512xi32, #tpu.memory_space<vmem>>
    %dma_wait3A_361 = arith.constant 0 : i32
    %dma_wait3A_362 = arith.constant 0 : i32
    %dma_wait3A_363 = tpu.memref_slice %arg3[%dma_wait3A_361, %dma_wait3A_362] : memref<1000001x64xf32, #tpu.memory_space<hbm>> -> memref<1000001x64xf32, #tpu.memory_space<hbm>>
    tpu.wait_indirect_dma semaphore(%arg7 : memref<!tpu.dma_semaphore, #tpu.memory_space<semaphore_mem>>) src(%dma_wait3A_363 : memref<1000001x64xf32, #tpu.memory_space<hbm>>) dst(%arg6 : memref<512x64xf32, #tpu.memory_space<vmem>>)
    %dma_wait3A_364 = arith.constant 1 : i32
    %dma_wait3A_365 = arith.constant 0 : i32
    %dma_wait3A_366 = tpu.memref_slice %arg5[%dma_wait3A_364, %dma_wait3A_365] : memref<50x512xi32, #tpu.memory_space<vmem>> -> memref<1x512xi32, #tpu.memory_space<vmem>>
    %dma_wait3A_367 = tpu.memref_squeeze %dma_wait3A_366 : memref<1x512xi32, #tpu.memory_space<vmem>> -> memref<512xi32, #tpu.memory_space<vmem>>
    %dma_wait3A_368 = arith.constant 0 : i32
    %dma_wait3A_369 = arith.constant 0 : i32
    %dma_wait3A_370 = tpu.memref_slice %arg3[%dma_wait3A_368, %dma_wait3A_369] : memref<1000001x64xf32, #tpu.memory_space<hbm>> -> memref<1000001x64xf32, #tpu.memory_space<hbm>>
    tpu.wait_indirect_dma semaphore(%arg7 : memref<!tpu.dma_semaphore, #tpu.memory_space<semaphore_mem>>) src(%dma_wait3A_370 : memref<1000001x64xf32, #tpu.memory_space<hbm>>) dst(%arg6 : memref<512x64xf32, #tpu.memory_space<vmem>>)
    %dma_wait3A_371 = arith.constant 2 : i32
    %dma_wait3A_372 = arith.constant 0 : i32
    %dma_wait3A_373 = tpu.memref_slice %arg5[%dma_wait3A_371, %dma_wait3A_372] : memref<50x512xi32, #tpu.memory_space<vmem>> -> memref<1x512xi32, #tpu.memory_space<vmem>>
    %dma_wait3A_374 = tpu.memref_squeeze %dma_wait3A_373 : memref<1x512xi32, #tpu.memory_space<vmem>> -> memref<512xi32, #tpu.memory_space<vmem>>
    %dma_wait3A_375 = arith.constant 0 : i32
    %dma_wait3A_376 = arith.constant 0 : i32
    %dma_wait3A_377 = tpu.memref_slice %arg3[%dma_wait3A_375, %dma_wait3A_376] : memref<1000001x64xf32, #tpu.memory_space<hbm>> -> memref<1000001x64xf32, #tpu.memory_space<hbm>>
    tpu.wait_indirect_dma semaphore(%arg7 : memref<!tpu.dma_semaphore, #tpu.memory_space<semaphore_mem>>) src(%dma_wait3A_377 : memref<1000001x64xf32, #tpu.memory_space<hbm>>) dst(%arg6 : memref<512x64xf32, #tpu.memory_space<vmem>>)
    %dma_wait3A_378 = arith.constant 3 : i32
    %dma_wait3A_379 = arith.constant 0 : i32
    %dma_wait3A_380 = tpu.memref_slice %arg5[%dma_wait3A_378, %dma_wait3A_379] : memref<50x512xi32, #tpu.memory_space<vmem>> -> memref<1x512xi32, #tpu.memory_space<vmem>>
    %dma_wait3A_381 = tpu.memref_squeeze %dma_wait3A_380 : memref<1x512xi32, #tpu.memory_space<vmem>> -> memref<512xi32, #tpu.memory_space<vmem>>
    %dma_wait3A_382 = arith.constant 0 : i32
    %dma_wait3A_383 = arith.constant 0 : i32
    %dma_wait3A_384 = tpu.memref_slice %arg3[%dma_wait3A_382, %dma_wait3A_383] : memref<1000001x64xf32, #tpu.memory_space<hbm>> -> memref<1000001x64xf32, #tpu.memory_space<hbm>>
    tpu.wait_indirect_dma semaphore(%arg7 : memref<!tpu.dma_semaphore, #tpu.memory_space<semaphore_mem>>) src(%dma_wait3A_384 : memref<1000001x64xf32, #tpu.memory_space<hbm>>) dst(%arg6 : memref<512x64xf32, #tpu.memory_space<vmem>>)
    %dma_wait3A_385 = arith.constant 4 : i32
    %dma_wait3A_386 = arith.constant 0 : i32
    %dma_wait3A_387 = tpu.memref_slice %arg5[%dma_wait3A_385, %dma_wait3A_386] : memref<50x512xi32, #tpu.memory_space<vmem>> -> memref<1x512xi32, #tpu.memory_space<vmem>>
    %dma_wait3A_388 = tpu.memref_squeeze %dma_wait3A_387 : memref<1x512xi32, #tpu.memory_space<vmem>> -> memref<512xi32, #tpu.memory_space<vmem>>
    %dma_wait3A_389 = arith.constant 0 : i32
    %dma_wait3A_390 = arith.constant 0 : i32
    %dma_wait3A_391 = tpu.memref_slice %arg3[%dma_wait3A_389, %dma_wait3A_390] : memref<1000001x64xf32, #tpu.memory_space<hbm>> -> memref<1000001x64xf32, #tpu.memory_space<hbm>>
    tpu.wait_indirect_dma semaphore(%arg7 : memref<!tpu.dma_semaphore, #tpu.memory_space<semaphore_mem>>) src(%dma_wait3A_391 : memref<1000001x64xf32, #tpu.memory_space<hbm>>) dst(%arg6 : memref<512x64xf32, #tpu.memory_space<vmem>>)
    %dma_wait3A_392 = arith.constant 5 : i32
    %dma_wait3A_393 = arith.constant 0 : i32
    %dma_wait3A_394 = tpu.memref_slice %arg5[%dma_wait3A_392, %dma_wait3A_393] : memref<50x512xi32, #tpu.memory_space<vmem>> -> memref<1x512xi32, #tpu.memory_space<vmem>>
    %dma_wait3A_395 = tpu.memref_squeeze %dma_wait3A_394 : memref<1x512xi32, #tpu.memory_space<vmem>> -> memref<512xi32, #tpu.memory_space<vmem>>
    %dma_wait3A_396 = arith.constant 0 : i32
    %dma_wait3A_397 = arith.constant 0 : i32
    %dma_wait3A_398 = tpu.memref_slice %arg3[%dma_wait3A_396, %dma_wait3A_397] : memref<1000001x64xf32, #tpu.memory_space<hbm>> -> memref<1000001x64xf32, #tpu.memory_space<hbm>>
    tpu.wait_indirect_dma semaphore(%arg7 : memref<!tpu.dma_semaphore, #tpu.memory_space<semaphore_mem>>) src(%dma_wait3A_398 : memref<1000001x64xf32, #tpu.memory_space<hbm>>) dst(%arg6 : memref<512x64xf32, #tpu.memory_space<vmem>>)
    %dma_wait3A_399 = arith.constant 6 : i32
    %dma_wait3A_400 = arith.constant 0 : i32
    %dma_wait3A_401 = tpu.memref_slice %arg5[%dma_wait3A_399, %dma_wait3A_400] : memref<50x512xi32, #tpu.memory_space<vmem>> -> memref<1x512xi32, #tpu.memory_space<vmem>>
    %dma_wait3A_402 = tpu.memref_squeeze %dma_wait3A_401 : memref<1x512xi32, #tpu.memory_space<vmem>> -> memref<512xi32, #tpu.memory_space<vmem>>
    %dma_wait3A_403 = arith.constant 0 : i32
    %dma_wait3A_404 = arith.constant 0 : i32
    %dma_wait3A_405 = tpu.memref_slice %arg3[%dma_wait3A_403, %dma_wait3A_404] : memref<1000001x64xf32, #tpu.memory_space<hbm>> -> memref<1000001x64xf32, #tpu.memory_space<hbm>>
    tpu.wait_indirect_dma semaphore(%arg7 : memref<!tpu.dma_semaphore, #tpu.memory_space<semaphore_mem>>) src(%dma_wait3A_405 : memref<1000001x64xf32, #tpu.memory_space<hbm>>) dst(%arg6 : memref<512x64xf32, #tpu.memory_space<vmem>>)
    %dma_wait3A_406 = arith.constant 7 : i32
    %dma_wait3A_407 = arith.constant 0 : i32
    %dma_wait3A_408 = tpu.memref_slice %arg5[%dma_wait3A_406, %dma_wait3A_407] : memref<50x512xi32, #tpu.memory_space<vmem>> -> memref<1x512xi32, #tpu.memory_space<vmem>>
    %dma_wait3A_409 = tpu.memref_squeeze %dma_wait3A_408 : memref<1x512xi32, #tpu.memory_space<vmem>> -> memref<512xi32, #tpu.memory_space<vmem>>
    %dma_wait3A_410 = arith.constant 0 : i32
    %dma_wait3A_411 = arith.constant 0 : i32
    %dma_wait3A_412 = tpu.memref_slice %arg3[%dma_wait3A_410, %dma_wait3A_411] : memref<1000001x64xf32, #tpu.memory_space<hbm>> -> memref<1000001x64xf32, #tpu.memory_space<hbm>>
    tpu.wait_indirect_dma semaphore(%arg7 : memref<!tpu.dma_semaphore, #tpu.memory_space<semaphore_mem>>) src(%dma_wait3A_412 : memref<1000001x64xf32, #tpu.memory_space<hbm>>) dst(%arg6 : memref<512x64xf32, #tpu.memory_space<vmem>>)
    %dma_wait3A_413 = arith.constant 8 : i32
    %dma_wait3A_414 = arith.constant 0 : i32
    %dma_wait3A_415 = tpu.memref_slice %arg5[%dma_wait3A_413, %dma_wait3A_414] : memref<50x512xi32, #tpu.memory_space<vmem>> -> memref<1x512xi32, #tpu.memory_space<vmem>>
    %dma_wait3A_416 = tpu.memref_squeeze %dma_wait3A_415 : memref<1x512xi32, #tpu.memory_space<vmem>> -> memref<512xi32, #tpu.memory_space<vmem>>
    %dma_wait3A_417 = arith.constant 0 : i32
    %dma_wait3A_418 = arith.constant 0 : i32
    %dma_wait3A_419 = tpu.memref_slice %arg3[%dma_wait3A_417, %dma_wait3A_418] : memref<1000001x64xf32, #tpu.memory_space<hbm>> -> memref<1000001x64xf32, #tpu.memory_space<hbm>>
    tpu.wait_indirect_dma semaphore(%arg7 : memref<!tpu.dma_semaphore, #tpu.memory_space<semaphore_mem>>) src(%dma_wait3A_419 : memref<1000001x64xf32, #tpu.memory_space<hbm>>) dst(%arg6 : memref<512x64xf32, #tpu.memory_space<vmem>>)
    %dma_wait3A_420 = arith.constant 9 : i32
    %dma_wait3A_421 = arith.constant 0 : i32
    %dma_wait3A_422 = tpu.memref_slice %arg5[%dma_wait3A_420, %dma_wait3A_421] : memref<50x512xi32, #tpu.memory_space<vmem>> -> memref<1x512xi32, #tpu.memory_space<vmem>>
    %dma_wait3A_423 = tpu.memref_squeeze %dma_wait3A_422 : memref<1x512xi32, #tpu.memory_space<vmem>> -> memref<512xi32, #tpu.memory_space<vmem>>
    %dma_wait3A_424 = arith.constant 0 : i32
    %dma_wait3A_425 = arith.constant 0 : i32
    %dma_wait3A_426 = tpu.memref_slice %arg3[%dma_wait3A_424, %dma_wait3A_425] : memref<1000001x64xf32, #tpu.memory_space<hbm>> -> memref<1000001x64xf32, #tpu.memory_space<hbm>>
    tpu.wait_indirect_dma semaphore(%arg7 : memref<!tpu.dma_semaphore, #tpu.memory_space<semaphore_mem>>) src(%dma_wait3A_426 : memref<1000001x64xf32, #tpu.memory_space<hbm>>) dst(%arg6 : memref<512x64xf32, #tpu.memory_space<vmem>>)
    %dma_wait3A_427 = arith.constant 10 : i32
    %dma_wait3A_428 = arith.constant 0 : i32
    %dma_wait3A_429 = tpu.memref_slice %arg5[%dma_wait3A_427, %dma_wait3A_428] : memref<50x512xi32, #tpu.memory_space<vmem>> -> memref<1x512xi32, #tpu.memory_space<vmem>>
    %dma_wait3A_430 = tpu.memref_squeeze %dma_wait3A_429 : memref<1x512xi32, #tpu.memory_space<vmem>> -> memref<512xi32, #tpu.memory_space<vmem>>
    %dma_wait3A_431 = arith.constant 0 : i32
    %dma_wait3A_432 = arith.constant 0 : i32
    %dma_wait3A_433 = tpu.memref_slice %arg3[%dma_wait3A_431, %dma_wait3A_432] : memref<1000001x64xf32, #tpu.memory_space<hbm>> -> memref<1000001x64xf32, #tpu.memory_space<hbm>>
    tpu.wait_indirect_dma semaphore(%arg7 : memref<!tpu.dma_semaphore, #tpu.memory_space<semaphore_mem>>) src(%dma_wait3A_433 : memref<1000001x64xf32, #tpu.memory_space<hbm>>) dst(%arg6 : memref<512x64xf32, #tpu.memory_space<vmem>>)
    %dma_wait3A_434 = arith.constant 11 : i32
    %dma_wait3A_435 = arith.constant 0 : i32
    %dma_wait3A_436 = tpu.memref_slice %arg5[%dma_wait3A_434, %dma_wait3A_435] : memref<50x512xi32, #tpu.memory_space<vmem>> -> memref<1x512xi32, #tpu.memory_space<vmem>>
    %dma_wait3A_437 = tpu.memref_squeeze %dma_wait3A_436 : memref<1x512xi32, #tpu.memory_space<vmem>> -> memref<512xi32, #tpu.memory_space<vmem>>
    %dma_wait3A_438 = arith.constant 0 : i32
    %dma_wait3A_439 = arith.constant 0 : i32
    %dma_wait3A_440 = tpu.memref_slice %arg3[%dma_wait3A_438, %dma_wait3A_439] : memref<1000001x64xf32, #tpu.memory_space<hbm>> -> memref<1000001x64xf32, #tpu.memory_space<hbm>>
    tpu.wait_indirect_dma semaphore(%arg7 : memref<!tpu.dma_semaphore, #tpu.memory_space<semaphore_mem>>) src(%dma_wait3A_440 : memref<1000001x64xf32, #tpu.memory_space<hbm>>) dst(%arg6 : memref<512x64xf32, #tpu.memory_space<vmem>>)
    %dma_wait3A_441 = arith.constant 12 : i32
    %dma_wait3A_442 = arith.constant 0 : i32
    %dma_wait3A_443 = tpu.memref_slice %arg5[%dma_wait3A_441, %dma_wait3A_442] : memref<50x512xi32, #tpu.memory_space<vmem>> -> memref<1x512xi32, #tpu.memory_space<vmem>>
    %dma_wait3A_444 = tpu.memref_squeeze %dma_wait3A_443 : memref<1x512xi32, #tpu.memory_space<vmem>> -> memref<512xi32, #tpu.memory_space<vmem>>
    %dma_wait3A_445 = arith.constant 0 : i32
    %dma_wait3A_446 = arith.constant 0 : i32
    %dma_wait3A_447 = tpu.memref_slice %arg3[%dma_wait3A_445, %dma_wait3A_446] : memref<1000001x64xf32, #tpu.memory_space<hbm>> -> memref<1000001x64xf32, #tpu.memory_space<hbm>>
    tpu.wait_indirect_dma semaphore(%arg7 : memref<!tpu.dma_semaphore, #tpu.memory_space<semaphore_mem>>) src(%dma_wait3A_447 : memref<1000001x64xf32, #tpu.memory_space<hbm>>) dst(%arg6 : memref<512x64xf32, #tpu.memory_space<vmem>>)
    %dma_wait3A_448 = arith.constant 13 : i32
    %dma_wait3A_449 = arith.constant 0 : i32
    %dma_wait3A_450 = tpu.memref_slice %arg5[%dma_wait3A_448, %dma_wait3A_449] : memref<50x512xi32, #tpu.memory_space<vmem>> -> memref<1x512xi32, #tpu.memory_space<vmem>>
    %dma_wait3A_451 = tpu.memref_squeeze %dma_wait3A_450 : memref<1x512xi32, #tpu.memory_space<vmem>> -> memref<512xi32, #tpu.memory_space<vmem>>
    %dma_wait3A_452 = arith.constant 0 : i32
    %dma_wait3A_453 = arith.constant 0 : i32
    %dma_wait3A_454 = tpu.memref_slice %arg3[%dma_wait3A_452, %dma_wait3A_453] : memref<1000001x64xf32, #tpu.memory_space<hbm>> -> memref<1000001x64xf32, #tpu.memory_space<hbm>>
    tpu.wait_indirect_dma semaphore(%arg7 : memref<!tpu.dma_semaphore, #tpu.memory_space<semaphore_mem>>) src(%dma_wait3A_454 : memref<1000001x64xf32, #tpu.memory_space<hbm>>) dst(%arg6 : memref<512x64xf32, #tpu.memory_space<vmem>>)
    %dma_wait3A_455 = arith.constant 14 : i32
    %dma_wait3A_456 = arith.constant 0 : i32
    %dma_wait3A_457 = tpu.memref_slice %arg5[%dma_wait3A_455, %dma_wait3A_456] : memref<50x512xi32, #tpu.memory_space<vmem>> -> memref<1x512xi32, #tpu.memory_space<vmem>>
    %dma_wait3A_458 = tpu.memref_squeeze %dma_wait3A_457 : memref<1x512xi32, #tpu.memory_space<vmem>> -> memref<512xi32, #tpu.memory_space<vmem>>
    %dma_wait3A_459 = arith.constant 0 : i32
    %dma_wait3A_460 = arith.constant 0 : i32
    %dma_wait3A_461 = tpu.memref_slice %arg3[%dma_wait3A_459, %dma_wait3A_460] : memref<1000001x64xf32, #tpu.memory_space<hbm>> -> memref<1000001x64xf32, #tpu.memory_space<hbm>>
    tpu.wait_indirect_dma semaphore(%arg7 : memref<!tpu.dma_semaphore, #tpu.memory_space<semaphore_mem>>) src(%dma_wait3A_461 : memref<1000001x64xf32, #tpu.memory_space<hbm>>) dst(%arg6 : memref<512x64xf32, #tpu.memory_space<vmem>>)
    %dma_wait3A_462 = arith.constant 15 : i32
    %dma_wait3A_463 = arith.constant 0 : i32
    %dma_wait3A_464 = tpu.memref_slice %arg5[%dma_wait3A_462, %dma_wait3A_463] : memref<50x512xi32, #tpu.memory_space<vmem>> -> memref<1x512xi32, #tpu.memory_space<vmem>>
    %dma_wait3A_465 = tpu.memref_squeeze %dma_wait3A_464 : memref<1x512xi32, #tpu.memory_space<vmem>> -> memref<512xi32, #tpu.memory_space<vmem>>
    %dma_wait3A_466 = arith.constant 0 : i32
    %dma_wait3A_467 = arith.constant 0 : i32
    %dma_wait3A_468 = tpu.memref_slice %arg3[%dma_wait3A_466, %dma_wait3A_467] : memref<1000001x64xf32, #tpu.memory_space<hbm>> -> memref<1000001x64xf32, #tpu.memory_space<hbm>>
    tpu.wait_indirect_dma semaphore(%arg7 : memref<!tpu.dma_semaphore, #tpu.memory_space<semaphore_mem>>) src(%dma_wait3A_468 : memref<1000001x64xf32, #tpu.memory_space<hbm>>) dst(%arg6 : memref<512x64xf32, #tpu.memory_space<vmem>>)
    %dma_wait3A_469 = arith.constant 16 : i32
    %dma_wait3A_470 = arith.constant 0 : i32
    %dma_wait3A_471 = tpu.memref_slice %arg5[%dma_wait3A_469, %dma_wait3A_470] : memref<50x512xi32, #tpu.memory_space<vmem>> -> memref<1x512xi32, #tpu.memory_space<vmem>>
    %dma_wait3A_472 = tpu.memref_squeeze %dma_wait3A_471 : memref<1x512xi32, #tpu.memory_space<vmem>> -> memref<512xi32, #tpu.memory_space<vmem>>
    %dma_wait3A_473 = arith.constant 0 : i32
    %dma_wait3A_474 = arith.constant 0 : i32
    %dma_wait3A_475 = tpu.memref_slice %arg3[%dma_wait3A_473, %dma_wait3A_474] : memref<1000001x64xf32, #tpu.memory_space<hbm>> -> memref<1000001x64xf32, #tpu.memory_space<hbm>>
    tpu.wait_indirect_dma semaphore(%arg7 : memref<!tpu.dma_semaphore, #tpu.memory_space<semaphore_mem>>) src(%dma_wait3A_475 : memref<1000001x64xf32, #tpu.memory_space<hbm>>) dst(%arg6 : memref<512x64xf32, #tpu.memory_space<vmem>>)
    %dma_wait3A_476 = arith.constant 17 : i32
    %dma_wait3A_477 = arith.constant 0 : i32
    %dma_wait3A_478 = tpu.memref_slice %arg5[%dma_wait3A_476, %dma_wait3A_477] : memref<50x512xi32, #tpu.memory_space<vmem>> -> memref<1x512xi32, #tpu.memory_space<vmem>>
    %dma_wait3A_479 = tpu.memref_squeeze %dma_wait3A_478 : memref<1x512xi32, #tpu.memory_space<vmem>> -> memref<512xi32, #tpu.memory_space<vmem>>
    %dma_wait3A_480 = arith.constant 0 : i32
    %dma_wait3A_481 = arith.constant 0 : i32
    %dma_wait3A_482 = tpu.memref_slice %arg3[%dma_wait3A_480, %dma_wait3A_481] : memref<1000001x64xf32, #tpu.memory_space<hbm>> -> memref<1000001x64xf32, #tpu.memory_space<hbm>>
    tpu.wait_indirect_dma semaphore(%arg7 : memref<!tpu.dma_semaphore, #tpu.memory_space<semaphore_mem>>) src(%dma_wait3A_482 : memref<1000001x64xf32, #tpu.memory_space<hbm>>) dst(%arg6 : memref<512x64xf32, #tpu.memory_space<vmem>>)
    %dma_wait3A_483 = arith.constant 18 : i32
    %dma_wait3A_484 = arith.constant 0 : i32
    %dma_wait3A_485 = tpu.memref_slice %arg5[%dma_wait3A_483, %dma_wait3A_484] : memref<50x512xi32, #tpu.memory_space<vmem>> -> memref<1x512xi32, #tpu.memory_space<vmem>>
    %dma_wait3A_486 = tpu.memref_squeeze %dma_wait3A_485 : memref<1x512xi32, #tpu.memory_space<vmem>> -> memref<512xi32, #tpu.memory_space<vmem>>
    %dma_wait3A_487 = arith.constant 0 : i32
    %dma_wait3A_488 = arith.constant 0 : i32
    %dma_wait3A_489 = tpu.memref_slice %arg3[%dma_wait3A_487, %dma_wait3A_488] : memref<1000001x64xf32, #tpu.memory_space<hbm>> -> memref<1000001x64xf32, #tpu.memory_space<hbm>>
    tpu.wait_indirect_dma semaphore(%arg7 : memref<!tpu.dma_semaphore, #tpu.memory_space<semaphore_mem>>) src(%dma_wait3A_489 : memref<1000001x64xf32, #tpu.memory_space<hbm>>) dst(%arg6 : memref<512x64xf32, #tpu.memory_space<vmem>>)
    %dma_wait3A_490 = arith.constant 19 : i32
    %dma_wait3A_491 = arith.constant 0 : i32
    %dma_wait3A_492 = tpu.memref_slice %arg5[%dma_wait3A_490, %dma_wait3A_491] : memref<50x512xi32, #tpu.memory_space<vmem>> -> memref<1x512xi32, #tpu.memory_space<vmem>>
    %dma_wait3A_493 = tpu.memref_squeeze %dma_wait3A_492 : memref<1x512xi32, #tpu.memory_space<vmem>> -> memref<512xi32, #tpu.memory_space<vmem>>
    %dma_wait3A_494 = arith.constant 0 : i32
    %dma_wait3A_495 = arith.constant 0 : i32
    %dma_wait3A_496 = tpu.memref_slice %arg3[%dma_wait3A_494, %dma_wait3A_495] : memref<1000001x64xf32, #tpu.memory_space<hbm>> -> memref<1000001x64xf32, #tpu.memory_space<hbm>>
    tpu.wait_indirect_dma semaphore(%arg7 : memref<!tpu.dma_semaphore, #tpu.memory_space<semaphore_mem>>) src(%dma_wait3A_496 : memref<1000001x64xf32, #tpu.memory_space<hbm>>) dst(%arg6 : memref<512x64xf32, #tpu.memory_space<vmem>>)
    %dma_wait3A_497 = arith.constant 20 : i32
    %dma_wait3A_498 = arith.constant 0 : i32
    %dma_wait3A_499 = tpu.memref_slice %arg5[%dma_wait3A_497, %dma_wait3A_498] : memref<50x512xi32, #tpu.memory_space<vmem>> -> memref<1x512xi32, #tpu.memory_space<vmem>>
    %dma_wait3A_500 = tpu.memref_squeeze %dma_wait3A_499 : memref<1x512xi32, #tpu.memory_space<vmem>> -> memref<512xi32, #tpu.memory_space<vmem>>
    %dma_wait3A_501 = arith.constant 0 : i32
    %dma_wait3A_502 = arith.constant 0 : i32
    %dma_wait3A_503 = tpu.memref_slice %arg3[%dma_wait3A_501, %dma_wait3A_502] : memref<1000001x64xf32, #tpu.memory_space<hbm>> -> memref<1000001x64xf32, #tpu.memory_space<hbm>>
    tpu.wait_indirect_dma semaphore(%arg7 : memref<!tpu.dma_semaphore, #tpu.memory_space<semaphore_mem>>) src(%dma_wait3A_503 : memref<1000001x64xf32, #tpu.memory_space<hbm>>) dst(%arg6 : memref<512x64xf32, #tpu.memory_space<vmem>>)
    %dma_wait3A_504 = arith.constant 21 : i32
    %dma_wait3A_505 = arith.constant 0 : i32
    %dma_wait3A_506 = tpu.memref_slice %arg5[%dma_wait3A_504, %dma_wait3A_505] : memref<50x512xi32, #tpu.memory_space<vmem>> -> memref<1x512xi32, #tpu.memory_space<vmem>>
    %dma_wait3A_507 = tpu.memref_squeeze %dma_wait3A_506 : memref<1x512xi32, #tpu.memory_space<vmem>> -> memref<512xi32, #tpu.memory_space<vmem>>
    %dma_wait3A_508 = arith.constant 0 : i32
    %dma_wait3A_509 = arith.constant 0 : i32
    %dma_wait3A_510 = tpu.memref_slice %arg3[%dma_wait3A_508, %dma_wait3A_509] : memref<1000001x64xf32, #tpu.memory_space<hbm>> -> memref<1000001x64xf32, #tpu.memory_space<hbm>>
    tpu.wait_indirect_dma semaphore(%arg7 : memref<!tpu.dma_semaphore, #tpu.memory_space<semaphore_mem>>) src(%dma_wait3A_510 : memref<1000001x64xf32, #tpu.memory_space<hbm>>) dst(%arg6 : memref<512x64xf32, #tpu.memory_space<vmem>>)
    %dma_wait3A_511 = arith.constant 22 : i32
    %dma_wait3A_512 = arith.constant 0 : i32
    %dma_wait3A_513 = tpu.memref_slice %arg5[%dma_wait3A_511, %dma_wait3A_512] : memref<50x512xi32, #tpu.memory_space<vmem>> -> memref<1x512xi32, #tpu.memory_space<vmem>>
    %dma_wait3A_514 = tpu.memref_squeeze %dma_wait3A_513 : memref<1x512xi32, #tpu.memory_space<vmem>> -> memref<512xi32, #tpu.memory_space<vmem>>
    %dma_wait3A_515 = arith.constant 0 : i32
    %dma_wait3A_516 = arith.constant 0 : i32
    %dma_wait3A_517 = tpu.memref_slice %arg3[%dma_wait3A_515, %dma_wait3A_516] : memref<1000001x64xf32, #tpu.memory_space<hbm>> -> memref<1000001x64xf32, #tpu.memory_space<hbm>>
    tpu.wait_indirect_dma semaphore(%arg7 : memref<!tpu.dma_semaphore, #tpu.memory_space<semaphore_mem>>) src(%dma_wait3A_517 : memref<1000001x64xf32, #tpu.memory_space<hbm>>) dst(%arg6 : memref<512x64xf32, #tpu.memory_space<vmem>>)
    %dma_wait3A_518 = arith.constant 23 : i32
    %dma_wait3A_519 = arith.constant 0 : i32
    %dma_wait3A_520 = tpu.memref_slice %arg5[%dma_wait3A_518, %dma_wait3A_519] : memref<50x512xi32, #tpu.memory_space<vmem>> -> memref<1x512xi32, #tpu.memory_space<vmem>>
    %dma_wait3A_521 = tpu.memref_squeeze %dma_wait3A_520 : memref<1x512xi32, #tpu.memory_space<vmem>> -> memref<512xi32, #tpu.memory_space<vmem>>
    %dma_wait3A_522 = arith.constant 0 : i32
    %dma_wait3A_523 = arith.constant 0 : i32
    %dma_wait3A_524 = tpu.memref_slice %arg3[%dma_wait3A_522, %dma_wait3A_523] : memref<1000001x64xf32, #tpu.memory_space<hbm>> -> memref<1000001x64xf32, #tpu.memory_space<hbm>>
    tpu.wait_indirect_dma semaphore(%arg7 : memref<!tpu.dma_semaphore, #tpu.memory_space<semaphore_mem>>) src(%dma_wait3A_524 : memref<1000001x64xf32, #tpu.memory_space<hbm>>) dst(%arg6 : memref<512x64xf32, #tpu.memory_space<vmem>>)
    %dma_wait3A_525 = arith.constant 24 : i32
    %dma_wait3A_526 = arith.constant 0 : i32
    %dma_wait3A_527 = tpu.memref_slice %arg5[%dma_wait3A_525, %dma_wait3A_526] : memref<50x512xi32, #tpu.memory_space<vmem>> -> memref<1x512xi32, #tpu.memory_space<vmem>>
    %dma_wait3A_528 = tpu.memref_squeeze %dma_wait3A_527 : memref<1x512xi32, #tpu.memory_space<vmem>> -> memref<512xi32, #tpu.memory_space<vmem>>
    %dma_wait3A_529 = arith.constant 0 : i32
    %dma_wait3A_530 = arith.constant 0 : i32
    %dma_wait3A_531 = tpu.memref_slice %arg3[%dma_wait3A_529, %dma_wait3A_530] : memref<1000001x64xf32, #tpu.memory_space<hbm>> -> memref<1000001x64xf32, #tpu.memory_space<hbm>>
    tpu.wait_indirect_dma semaphore(%arg7 : memref<!tpu.dma_semaphore, #tpu.memory_space<semaphore_mem>>) src(%dma_wait3A_531 : memref<1000001x64xf32, #tpu.memory_space<hbm>>) dst(%arg6 : memref<512x64xf32, #tpu.memory_space<vmem>>)
    %dma_wait3A_532 = arith.constant 25 : i32
    %dma_wait3A_533 = arith.constant 0 : i32
    %dma_wait3A_534 = tpu.memref_slice %arg5[%dma_wait3A_532, %dma_wait3A_533] : memref<50x512xi32, #tpu.memory_space<vmem>> -> memref<1x512xi32, #tpu.memory_space<vmem>>
    %dma_wait3A_535 = tpu.memref_squeeze %dma_wait3A_534 : memref<1x512xi32, #tpu.memory_space<vmem>> -> memref<512xi32, #tpu.memory_space<vmem>>
    %dma_wait3A_536 = arith.constant 0 : i32
    %dma_wait3A_537 = arith.constant 0 : i32
    %dma_wait3A_538 = tpu.memref_slice %arg3[%dma_wait3A_536, %dma_wait3A_537] : memref<1000001x64xf32, #tpu.memory_space<hbm>> -> memref<1000001x64xf32, #tpu.memory_space<hbm>>
    tpu.wait_indirect_dma semaphore(%arg7 : memref<!tpu.dma_semaphore, #tpu.memory_space<semaphore_mem>>) src(%dma_wait3A_538 : memref<1000001x64xf32, #tpu.memory_space<hbm>>) dst(%arg6 : memref<512x64xf32, #tpu.memory_space<vmem>>)
    %dma_wait3A_539 = arith.constant 26 : i32
    %dma_wait3A_540 = arith.constant 0 : i32
    %dma_wait3A_541 = tpu.memref_slice %arg5[%dma_wait3A_539, %dma_wait3A_540] : memref<50x512xi32, #tpu.memory_space<vmem>> -> memref<1x512xi32, #tpu.memory_space<vmem>>
    %dma_wait3A_542 = tpu.memref_squeeze %dma_wait3A_541 : memref<1x512xi32, #tpu.memory_space<vmem>> -> memref<512xi32, #tpu.memory_space<vmem>>
    %dma_wait3A_543 = arith.constant 0 : i32
    %dma_wait3A_544 = arith.constant 0 : i32
    %dma_wait3A_545 = tpu.memref_slice %arg3[%dma_wait3A_543, %dma_wait3A_544] : memref<1000001x64xf32, #tpu.memory_space<hbm>> -> memref<1000001x64xf32, #tpu.memory_space<hbm>>
    tpu.wait_indirect_dma semaphore(%arg7 : memref<!tpu.dma_semaphore, #tpu.memory_space<semaphore_mem>>) src(%dma_wait3A_545 : memref<1000001x64xf32, #tpu.memory_space<hbm>>) dst(%arg6 : memref<512x64xf32, #tpu.memory_space<vmem>>)
    %dma_wait3A_546 = arith.constant 27 : i32
    %dma_wait3A_547 = arith.constant 0 : i32
    %dma_wait3A_548 = tpu.memref_slice %arg5[%dma_wait3A_546, %dma_wait3A_547] : memref<50x512xi32, #tpu.memory_space<vmem>> -> memref<1x512xi32, #tpu.memory_space<vmem>>
    %dma_wait3A_549 = tpu.memref_squeeze %dma_wait3A_548 : memref<1x512xi32, #tpu.memory_space<vmem>> -> memref<512xi32, #tpu.memory_space<vmem>>
    %dma_wait3A_550 = arith.constant 0 : i32
    %dma_wait3A_551 = arith.constant 0 : i32
    %dma_wait3A_552 = tpu.memref_slice %arg3[%dma_wait3A_550, %dma_wait3A_551] : memref<1000001x64xf32, #tpu.memory_space<hbm>> -> memref<1000001x64xf32, #tpu.memory_space<hbm>>
    tpu.wait_indirect_dma semaphore(%arg7 : memref<!tpu.dma_semaphore, #tpu.memory_space<semaphore_mem>>) src(%dma_wait3A_552 : memref<1000001x64xf32, #tpu.memory_space<hbm>>) dst(%arg6 : memref<512x64xf32, #tpu.memory_space<vmem>>)
    %dma_wait3A_553 = arith.constant 28 : i32
    %dma_wait3A_554 = arith.constant 0 : i32
    %dma_wait3A_555 = tpu.memref_slice %arg5[%dma_wait3A_553, %dma_wait3A_554] : memref<50x512xi32, #tpu.memory_space<vmem>> -> memref<1x512xi32, #tpu.memory_space<vmem>>
    %dma_wait3A_556 = tpu.memref_squeeze %dma_wait3A_555 : memref<1x512xi32, #tpu.memory_space<vmem>> -> memref<512xi32, #tpu.memory_space<vmem>>
    %dma_wait3A_557 = arith.constant 0 : i32
    %dma_wait3A_558 = arith.constant 0 : i32
    %dma_wait3A_559 = tpu.memref_slice %arg3[%dma_wait3A_557, %dma_wait3A_558] : memref<1000001x64xf32, #tpu.memory_space<hbm>> -> memref<1000001x64xf32, #tpu.memory_space<hbm>>
    tpu.wait_indirect_dma semaphore(%arg7 : memref<!tpu.dma_semaphore, #tpu.memory_space<semaphore_mem>>) src(%dma_wait3A_559 : memref<1000001x64xf32, #tpu.memory_space<hbm>>) dst(%arg6 : memref<512x64xf32, #tpu.memory_space<vmem>>)
    %dma_wait3A_560 = arith.constant 29 : i32
    %dma_wait3A_561 = arith.constant 0 : i32
    %dma_wait3A_562 = tpu.memref_slice %arg5[%dma_wait3A_560, %dma_wait3A_561] : memref<50x512xi32, #tpu.memory_space<vmem>> -> memref<1x512xi32, #tpu.memory_space<vmem>>
    %dma_wait3A_563 = tpu.memref_squeeze %dma_wait3A_562 : memref<1x512xi32, #tpu.memory_space<vmem>> -> memref<512xi32, #tpu.memory_space<vmem>>
    %dma_wait3A_564 = arith.constant 0 : i32
    %dma_wait3A_565 = arith.constant 0 : i32
    %dma_wait3A_566 = tpu.memref_slice %arg3[%dma_wait3A_564, %dma_wait3A_565] : memref<1000001x64xf32, #tpu.memory_space<hbm>> -> memref<1000001x64xf32, #tpu.memory_space<hbm>>
    tpu.wait_indirect_dma semaphore(%arg7 : memref<!tpu.dma_semaphore, #tpu.memory_space<semaphore_mem>>) src(%dma_wait3A_566 : memref<1000001x64xf32, #tpu.memory_space<hbm>>) dst(%arg6 : memref<512x64xf32, #tpu.memory_space<vmem>>)
    %dma_wait3A_567 = arith.constant 30 : i32
    %dma_wait3A_568 = arith.constant 0 : i32
    %dma_wait3A_569 = tpu.memref_slice %arg5[%dma_wait3A_567, %dma_wait3A_568] : memref<50x512xi32, #tpu.memory_space<vmem>> -> memref<1x512xi32, #tpu.memory_space<vmem>>
    %dma_wait3A_570 = tpu.memref_squeeze %dma_wait3A_569 : memref<1x512xi32, #tpu.memory_space<vmem>> -> memref<512xi32, #tpu.memory_space<vmem>>
    %dma_wait3A_571 = arith.constant 0 : i32
    %dma_wait3A_572 = arith.constant 0 : i32
    %dma_wait3A_573 = tpu.memref_slice %arg3[%dma_wait3A_571, %dma_wait3A_572] : memref<1000001x64xf32, #tpu.memory_space<hbm>> -> memref<1000001x64xf32, #tpu.memory_space<hbm>>
    tpu.wait_indirect_dma semaphore(%arg7 : memref<!tpu.dma_semaphore, #tpu.memory_space<semaphore_mem>>) src(%dma_wait3A_573 : memref<1000001x64xf32, #tpu.memory_space<hbm>>) dst(%arg6 : memref<512x64xf32, #tpu.memory_space<vmem>>)
    %dma_wait3A_574 = arith.constant 31 : i32
    %dma_wait3A_575 = arith.constant 0 : i32
    %dma_wait3A_576 = tpu.memref_slice %arg5[%dma_wait3A_574, %dma_wait3A_575] : memref<50x512xi32, #tpu.memory_space<vmem>> -> memref<1x512xi32, #tpu.memory_space<vmem>>
    %dma_wait3A_577 = tpu.memref_squeeze %dma_wait3A_576 : memref<1x512xi32, #tpu.memory_space<vmem>> -> memref<512xi32, #tpu.memory_space<vmem>>
    %dma_wait3A_578 = arith.constant 0 : i32
    %dma_wait3A_579 = arith.constant 0 : i32
    %dma_wait3A_580 = tpu.memref_slice %arg3[%dma_wait3A_578, %dma_wait3A_579] : memref<1000001x64xf32, #tpu.memory_space<hbm>> -> memref<1000001x64xf32, #tpu.memory_space<hbm>>
    tpu.wait_indirect_dma semaphore(%arg7 : memref<!tpu.dma_semaphore, #tpu.memory_space<semaphore_mem>>) src(%dma_wait3A_580 : memref<1000001x64xf32, #tpu.memory_space<hbm>>) dst(%arg6 : memref<512x64xf32, #tpu.memory_space<vmem>>)
    %dma_wait3A_581 = arith.constant 32 : i32
    %dma_wait3A_582 = arith.constant 0 : i32
    %dma_wait3A_583 = tpu.memref_slice %arg5[%dma_wait3A_581, %dma_wait3A_582] : memref<50x512xi32, #tpu.memory_space<vmem>> -> memref<1x512xi32, #tpu.memory_space<vmem>>
    %dma_wait3A_584 = tpu.memref_squeeze %dma_wait3A_583 : memref<1x512xi32, #tpu.memory_space<vmem>> -> memref<512xi32, #tpu.memory_space<vmem>>
    %dma_wait3A_585 = arith.constant 0 : i32
    %dma_wait3A_586 = arith.constant 0 : i32
    %dma_wait3A_587 = tpu.memref_slice %arg3[%dma_wait3A_585, %dma_wait3A_586] : memref<1000001x64xf32, #tpu.memory_space<hbm>> -> memref<1000001x64xf32, #tpu.memory_space<hbm>>
    tpu.wait_indirect_dma semaphore(%arg7 : memref<!tpu.dma_semaphore, #tpu.memory_space<semaphore_mem>>) src(%dma_wait3A_587 : memref<1000001x64xf32, #tpu.memory_space<hbm>>) dst(%arg6 : memref<512x64xf32, #tpu.memory_space<vmem>>)
    %dma_wait3A_588 = arith.constant 33 : i32
    %dma_wait3A_589 = arith.constant 0 : i32
    %dma_wait3A_590 = tpu.memref_slice %arg5[%dma_wait3A_588, %dma_wait3A_589] : memref<50x512xi32, #tpu.memory_space<vmem>> -> memref<1x512xi32, #tpu.memory_space<vmem>>
    %dma_wait3A_591 = tpu.memref_squeeze %dma_wait3A_590 : memref<1x512xi32, #tpu.memory_space<vmem>> -> memref<512xi32, #tpu.memory_space<vmem>>
    %dma_wait3A_592 = arith.constant 0 : i32
    %dma_wait3A_593 = arith.constant 0 : i32
    %dma_wait3A_594 = tpu.memref_slice %arg3[%dma_wait3A_592, %dma_wait3A_593] : memref<1000001x64xf32, #tpu.memory_space<hbm>> -> memref<1000001x64xf32, #tpu.memory_space<hbm>>
    tpu.wait_indirect_dma semaphore(%arg7 : memref<!tpu.dma_semaphore, #tpu.memory_space<semaphore_mem>>) src(%dma_wait3A_594 : memref<1000001x64xf32, #tpu.memory_space<hbm>>) dst(%arg6 : memref<512x64xf32, #tpu.memory_space<vmem>>)
    %dma_wait3A_595 = arith.constant 34 : i32
    %dma_wait3A_596 = arith.constant 0 : i32
    %dma_wait3A_597 = tpu.memref_slice %arg5[%dma_wait3A_595, %dma_wait3A_596] : memref<50x512xi32, #tpu.memory_space<vmem>> -> memref<1x512xi32, #tpu.memory_space<vmem>>
    %dma_wait3A_598 = tpu.memref_squeeze %dma_wait3A_597 : memref<1x512xi32, #tpu.memory_space<vmem>> -> memref<512xi32, #tpu.memory_space<vmem>>
    %dma_wait3A_599 = arith.constant 0 : i32
    %dma_wait3A_600 = arith.constant 0 : i32
    %dma_wait3A_601 = tpu.memref_slice %arg3[%dma_wait3A_599, %dma_wait3A_600] : memref<1000001x64xf32, #tpu.memory_space<hbm>> -> memref<1000001x64xf32, #tpu.memory_space<hbm>>
    tpu.wait_indirect_dma semaphore(%arg7 : memref<!tpu.dma_semaphore, #tpu.memory_space<semaphore_mem>>) src(%dma_wait3A_601 : memref<1000001x64xf32, #tpu.memory_space<hbm>>) dst(%arg6 : memref<512x64xf32, #tpu.memory_space<vmem>>)
    %dma_wait3A_602 = arith.constant 35 : i32
    %dma_wait3A_603 = arith.constant 0 : i32
    %dma_wait3A_604 = tpu.memref_slice %arg5[%dma_wait3A_602, %dma_wait3A_603] : memref<50x512xi32, #tpu.memory_space<vmem>> -> memref<1x512xi32, #tpu.memory_space<vmem>>
    %dma_wait3A_605 = tpu.memref_squeeze %dma_wait3A_604 : memref<1x512xi32, #tpu.memory_space<vmem>> -> memref<512xi32, #tpu.memory_space<vmem>>
    %dma_wait3A_606 = arith.constant 0 : i32
    %dma_wait3A_607 = arith.constant 0 : i32
    %dma_wait3A_608 = tpu.memref_slice %arg3[%dma_wait3A_606, %dma_wait3A_607] : memref<1000001x64xf32, #tpu.memory_space<hbm>> -> memref<1000001x64xf32, #tpu.memory_space<hbm>>
    tpu.wait_indirect_dma semaphore(%arg7 : memref<!tpu.dma_semaphore, #tpu.memory_space<semaphore_mem>>) src(%dma_wait3A_608 : memref<1000001x64xf32, #tpu.memory_space<hbm>>) dst(%arg6 : memref<512x64xf32, #tpu.memory_space<vmem>>)
    %dma_wait3A_609 = arith.constant 36 : i32
    %dma_wait3A_610 = arith.constant 0 : i32
    %dma_wait3A_611 = tpu.memref_slice %arg5[%dma_wait3A_609, %dma_wait3A_610] : memref<50x512xi32, #tpu.memory_space<vmem>> -> memref<1x512xi32, #tpu.memory_space<vmem>>
    %dma_wait3A_612 = tpu.memref_squeeze %dma_wait3A_611 : memref<1x512xi32, #tpu.memory_space<vmem>> -> memref<512xi32, #tpu.memory_space<vmem>>
    %dma_wait3A_613 = arith.constant 0 : i32
    %dma_wait3A_614 = arith.constant 0 : i32
    %dma_wait3A_615 = tpu.memref_slice %arg3[%dma_wait3A_613, %dma_wait3A_614] : memref<1000001x64xf32, #tpu.memory_space<hbm>> -> memref<1000001x64xf32, #tpu.memory_space<hbm>>
    tpu.wait_indirect_dma semaphore(%arg7 : memref<!tpu.dma_semaphore, #tpu.memory_space<semaphore_mem>>) src(%dma_wait3A_615 : memref<1000001x64xf32, #tpu.memory_space<hbm>>) dst(%arg6 : memref<512x64xf32, #tpu.memory_space<vmem>>)
    %dma_wait3A_616 = arith.constant 37 : i32
    %dma_wait3A_617 = arith.constant 0 : i32
    %dma_wait3A_618 = tpu.memref_slice %arg5[%dma_wait3A_616, %dma_wait3A_617] : memref<50x512xi32, #tpu.memory_space<vmem>> -> memref<1x512xi32, #tpu.memory_space<vmem>>
    %dma_wait3A_619 = tpu.memref_squeeze %dma_wait3A_618 : memref<1x512xi32, #tpu.memory_space<vmem>> -> memref<512xi32, #tpu.memory_space<vmem>>
    %dma_wait3A_620 = arith.constant 0 : i32
    %dma_wait3A_621 = arith.constant 0 : i32
    %dma_wait3A_622 = tpu.memref_slice %arg3[%dma_wait3A_620, %dma_wait3A_621] : memref<1000001x64xf32, #tpu.memory_space<hbm>> -> memref<1000001x64xf32, #tpu.memory_space<hbm>>
    tpu.wait_indirect_dma semaphore(%arg7 : memref<!tpu.dma_semaphore, #tpu.memory_space<semaphore_mem>>) src(%dma_wait3A_622 : memref<1000001x64xf32, #tpu.memory_space<hbm>>) dst(%arg6 : memref<512x64xf32, #tpu.memory_space<vmem>>)
    %dma_wait3A_623 = arith.constant 38 : i32
    %dma_wait3A_624 = arith.constant 0 : i32
    %dma_wait3A_625 = tpu.memref_slice %arg5[%dma_wait3A_623, %dma_wait3A_624] : memref<50x512xi32, #tpu.memory_space<vmem>> -> memref<1x512xi32, #tpu.memory_space<vmem>>
    %dma_wait3A_626 = tpu.memref_squeeze %dma_wait3A_625 : memref<1x512xi32, #tpu.memory_space<vmem>> -> memref<512xi32, #tpu.memory_space<vmem>>
    %dma_wait3A_627 = arith.constant 0 : i32
    %dma_wait3A_628 = arith.constant 0 : i32
    %dma_wait3A_629 = tpu.memref_slice %arg3[%dma_wait3A_627, %dma_wait3A_628] : memref<1000001x64xf32, #tpu.memory_space<hbm>> -> memref<1000001x64xf32, #tpu.memory_space<hbm>>
    tpu.wait_indirect_dma semaphore(%arg7 : memref<!tpu.dma_semaphore, #tpu.memory_space<semaphore_mem>>) src(%dma_wait3A_629 : memref<1000001x64xf32, #tpu.memory_space<hbm>>) dst(%arg6 : memref<512x64xf32, #tpu.memory_space<vmem>>)
    %dma_wait3A_630 = arith.constant 39 : i32
    %dma_wait3A_631 = arith.constant 0 : i32
    %dma_wait3A_632 = tpu.memref_slice %arg5[%dma_wait3A_630, %dma_wait3A_631] : memref<50x512xi32, #tpu.memory_space<vmem>> -> memref<1x512xi32, #tpu.memory_space<vmem>>
    %dma_wait3A_633 = tpu.memref_squeeze %dma_wait3A_632 : memref<1x512xi32, #tpu.memory_space<vmem>> -> memref<512xi32, #tpu.memory_space<vmem>>
    %dma_wait3A_634 = arith.constant 0 : i32
    %dma_wait3A_635 = arith.constant 0 : i32
    %dma_wait3A_636 = tpu.memref_slice %arg3[%dma_wait3A_634, %dma_wait3A_635] : memref<1000001x64xf32, #tpu.memory_space<hbm>> -> memref<1000001x64xf32, #tpu.memory_space<hbm>>
    tpu.wait_indirect_dma semaphore(%arg7 : memref<!tpu.dma_semaphore, #tpu.memory_space<semaphore_mem>>) src(%dma_wait3A_636 : memref<1000001x64xf32, #tpu.memory_space<hbm>>) dst(%arg6 : memref<512x64xf32, #tpu.memory_space<vmem>>)
    %dma_wait3A_637 = arith.constant 40 : i32
    %dma_wait3A_638 = arith.constant 0 : i32
    %dma_wait3A_639 = tpu.memref_slice %arg5[%dma_wait3A_637, %dma_wait3A_638] : memref<50x512xi32, #tpu.memory_space<vmem>> -> memref<1x512xi32, #tpu.memory_space<vmem>>
    %dma_wait3A_640 = tpu.memref_squeeze %dma_wait3A_639 : memref<1x512xi32, #tpu.memory_space<vmem>> -> memref<512xi32, #tpu.memory_space<vmem>>
    %dma_wait3A_641 = arith.constant 0 : i32
    %dma_wait3A_642 = arith.constant 0 : i32
    %dma_wait3A_643 = tpu.memref_slice %arg3[%dma_wait3A_641, %dma_wait3A_642] : memref<1000001x64xf32, #tpu.memory_space<hbm>> -> memref<1000001x64xf32, #tpu.memory_space<hbm>>
    tpu.wait_indirect_dma semaphore(%arg7 : memref<!tpu.dma_semaphore, #tpu.memory_space<semaphore_mem>>) src(%dma_wait3A_643 : memref<1000001x64xf32, #tpu.memory_space<hbm>>) dst(%arg6 : memref<512x64xf32, #tpu.memory_space<vmem>>)
    %dma_wait3A_644 = arith.constant 41 : i32
    %dma_wait3A_645 = arith.constant 0 : i32
    %dma_wait3A_646 = tpu.memref_slice %arg5[%dma_wait3A_644, %dma_wait3A_645] : memref<50x512xi32, #tpu.memory_space<vmem>> -> memref<1x512xi32, #tpu.memory_space<vmem>>
    %dma_wait3A_647 = tpu.memref_squeeze %dma_wait3A_646 : memref<1x512xi32, #tpu.memory_space<vmem>> -> memref<512xi32, #tpu.memory_space<vmem>>
    %dma_wait3A_648 = arith.constant 0 : i32
    %dma_wait3A_649 = arith.constant 0 : i32
    %dma_wait3A_650 = tpu.memref_slice %arg3[%dma_wait3A_648, %dma_wait3A_649] : memref<1000001x64xf32, #tpu.memory_space<hbm>> -> memref<1000001x64xf32, #tpu.memory_space<hbm>>
    tpu.wait_indirect_dma semaphore(%arg7 : memref<!tpu.dma_semaphore, #tpu.memory_space<semaphore_mem>>) src(%dma_wait3A_650 : memref<1000001x64xf32, #tpu.memory_space<hbm>>) dst(%arg6 : memref<512x64xf32, #tpu.memory_space<vmem>>)
    %dma_wait3A_651 = arith.constant 42 : i32
    %dma_wait3A_652 = arith.constant 0 : i32
    %dma_wait3A_653 = tpu.memref_slice %arg5[%dma_wait3A_651, %dma_wait3A_652] : memref<50x512xi32, #tpu.memory_space<vmem>> -> memref<1x512xi32, #tpu.memory_space<vmem>>
    %dma_wait3A_654 = tpu.memref_squeeze %dma_wait3A_653 : memref<1x512xi32, #tpu.memory_space<vmem>> -> memref<512xi32, #tpu.memory_space<vmem>>
    %dma_wait3A_655 = arith.constant 0 : i32
    %dma_wait3A_656 = arith.constant 0 : i32
    %dma_wait3A_657 = tpu.memref_slice %arg3[%dma_wait3A_655, %dma_wait3A_656] : memref<1000001x64xf32, #tpu.memory_space<hbm>> -> memref<1000001x64xf32, #tpu.memory_space<hbm>>
    tpu.wait_indirect_dma semaphore(%arg7 : memref<!tpu.dma_semaphore, #tpu.memory_space<semaphore_mem>>) src(%dma_wait3A_657 : memref<1000001x64xf32, #tpu.memory_space<hbm>>) dst(%arg6 : memref<512x64xf32, #tpu.memory_space<vmem>>)
    %dma_wait3A_658 = arith.constant 43 : i32
    %dma_wait3A_659 = arith.constant 0 : i32
    %dma_wait3A_660 = tpu.memref_slice %arg5[%dma_wait3A_658, %dma_wait3A_659] : memref<50x512xi32, #tpu.memory_space<vmem>> -> memref<1x512xi32, #tpu.memory_space<vmem>>
    %dma_wait3A_661 = tpu.memref_squeeze %dma_wait3A_660 : memref<1x512xi32, #tpu.memory_space<vmem>> -> memref<512xi32, #tpu.memory_space<vmem>>
    %dma_wait3A_662 = arith.constant 0 : i32
    %dma_wait3A_663 = arith.constant 0 : i32
    %dma_wait3A_664 = tpu.memref_slice %arg3[%dma_wait3A_662, %dma_wait3A_663] : memref<1000001x64xf32, #tpu.memory_space<hbm>> -> memref<1000001x64xf32, #tpu.memory_space<hbm>>
    tpu.wait_indirect_dma semaphore(%arg7 : memref<!tpu.dma_semaphore, #tpu.memory_space<semaphore_mem>>) src(%dma_wait3A_664 : memref<1000001x64xf32, #tpu.memory_space<hbm>>) dst(%arg6 : memref<512x64xf32, #tpu.memory_space<vmem>>)
    %dma_wait3A_665 = arith.constant 44 : i32
    %dma_wait3A_666 = arith.constant 0 : i32
    %dma_wait3A_667 = tpu.memref_slice %arg5[%dma_wait3A_665, %dma_wait3A_666] : memref<50x512xi32, #tpu.memory_space<vmem>> -> memref<1x512xi32, #tpu.memory_space<vmem>>
    %dma_wait3A_668 = tpu.memref_squeeze %dma_wait3A_667 : memref<1x512xi32, #tpu.memory_space<vmem>> -> memref<512xi32, #tpu.memory_space<vmem>>
    %dma_wait3A_669 = arith.constant 0 : i32
    %dma_wait3A_670 = arith.constant 0 : i32
    %dma_wait3A_671 = tpu.memref_slice %arg3[%dma_wait3A_669, %dma_wait3A_670] : memref<1000001x64xf32, #tpu.memory_space<hbm>> -> memref<1000001x64xf32, #tpu.memory_space<hbm>>
    tpu.wait_indirect_dma semaphore(%arg7 : memref<!tpu.dma_semaphore, #tpu.memory_space<semaphore_mem>>) src(%dma_wait3A_671 : memref<1000001x64xf32, #tpu.memory_space<hbm>>) dst(%arg6 : memref<512x64xf32, #tpu.memory_space<vmem>>)
    %dma_wait3A_672 = arith.constant 45 : i32
    %dma_wait3A_673 = arith.constant 0 : i32
    %dma_wait3A_674 = tpu.memref_slice %arg5[%dma_wait3A_672, %dma_wait3A_673] : memref<50x512xi32, #tpu.memory_space<vmem>> -> memref<1x512xi32, #tpu.memory_space<vmem>>
    %dma_wait3A_675 = tpu.memref_squeeze %dma_wait3A_674 : memref<1x512xi32, #tpu.memory_space<vmem>> -> memref<512xi32, #tpu.memory_space<vmem>>
    %dma_wait3A_676 = arith.constant 0 : i32
    %dma_wait3A_677 = arith.constant 0 : i32
    %dma_wait3A_678 = tpu.memref_slice %arg3[%dma_wait3A_676, %dma_wait3A_677] : memref<1000001x64xf32, #tpu.memory_space<hbm>> -> memref<1000001x64xf32, #tpu.memory_space<hbm>>
    tpu.wait_indirect_dma semaphore(%arg7 : memref<!tpu.dma_semaphore, #tpu.memory_space<semaphore_mem>>) src(%dma_wait3A_678 : memref<1000001x64xf32, #tpu.memory_space<hbm>>) dst(%arg6 : memref<512x64xf32, #tpu.memory_space<vmem>>)
    %dma_wait3A_679 = arith.constant 46 : i32
    %dma_wait3A_680 = arith.constant 0 : i32
    %dma_wait3A_681 = tpu.memref_slice %arg5[%dma_wait3A_679, %dma_wait3A_680] : memref<50x512xi32, #tpu.memory_space<vmem>> -> memref<1x512xi32, #tpu.memory_space<vmem>>
    %dma_wait3A_682 = tpu.memref_squeeze %dma_wait3A_681 : memref<1x512xi32, #tpu.memory_space<vmem>> -> memref<512xi32, #tpu.memory_space<vmem>>
    %dma_wait3A_683 = arith.constant 0 : i32
    %dma_wait3A_684 = arith.constant 0 : i32
    %dma_wait3A_685 = tpu.memref_slice %arg3[%dma_wait3A_683, %dma_wait3A_684] : memref<1000001x64xf32, #tpu.memory_space<hbm>> -> memref<1000001x64xf32, #tpu.memory_space<hbm>>
    tpu.wait_indirect_dma semaphore(%arg7 : memref<!tpu.dma_semaphore, #tpu.memory_space<semaphore_mem>>) src(%dma_wait3A_685 : memref<1000001x64xf32, #tpu.memory_space<hbm>>) dst(%arg6 : memref<512x64xf32, #tpu.memory_space<vmem>>)
    %dma_wait3A_686 = arith.constant 47 : i32
    %dma_wait3A_687 = arith.constant 0 : i32
    %dma_wait3A_688 = tpu.memref_slice %arg5[%dma_wait3A_686, %dma_wait3A_687] : memref<50x512xi32, #tpu.memory_space<vmem>> -> memref<1x512xi32, #tpu.memory_space<vmem>>
    %dma_wait3A_689 = tpu.memref_squeeze %dma_wait3A_688 : memref<1x512xi32, #tpu.memory_space<vmem>> -> memref<512xi32, #tpu.memory_space<vmem>>
    %dma_wait3A_690 = arith.constant 0 : i32
    %dma_wait3A_691 = arith.constant 0 : i32
    %dma_wait3A_692 = tpu.memref_slice %arg3[%dma_wait3A_690, %dma_wait3A_691] : memref<1000001x64xf32, #tpu.memory_space<hbm>> -> memref<1000001x64xf32, #tpu.memory_space<hbm>>
    tpu.wait_indirect_dma semaphore(%arg7 : memref<!tpu.dma_semaphore, #tpu.memory_space<semaphore_mem>>) src(%dma_wait3A_692 : memref<1000001x64xf32, #tpu.memory_space<hbm>>) dst(%arg6 : memref<512x64xf32, #tpu.memory_space<vmem>>)
    %dma_wait3A_693 = arith.constant 48 : i32
    %dma_wait3A_694 = arith.constant 0 : i32
    %dma_wait3A_695 = tpu.memref_slice %arg5[%dma_wait3A_693, %dma_wait3A_694] : memref<50x512xi32, #tpu.memory_space<vmem>> -> memref<1x512xi32, #tpu.memory_space<vmem>>
    %dma_wait3A_696 = tpu.memref_squeeze %dma_wait3A_695 : memref<1x512xi32, #tpu.memory_space<vmem>> -> memref<512xi32, #tpu.memory_space<vmem>>
    %dma_wait3A_697 = arith.constant 0 : i32
    %dma_wait3A_698 = arith.constant 0 : i32
    %dma_wait3A_699 = tpu.memref_slice %arg3[%dma_wait3A_697, %dma_wait3A_698] : memref<1000001x64xf32, #tpu.memory_space<hbm>> -> memref<1000001x64xf32, #tpu.memory_space<hbm>>
    tpu.wait_indirect_dma semaphore(%arg7 : memref<!tpu.dma_semaphore, #tpu.memory_space<semaphore_mem>>) src(%dma_wait3A_699 : memref<1000001x64xf32, #tpu.memory_space<hbm>>) dst(%arg6 : memref<512x64xf32, #tpu.memory_space<vmem>>)
    %dma_wait3A_700 = arith.constant 49 : i32
    %dma_wait3A_701 = arith.constant 0 : i32
    %dma_wait3A_702 = tpu.memref_slice %arg5[%dma_wait3A_700, %dma_wait3A_701] : memref<50x512xi32, #tpu.memory_space<vmem>> -> memref<1x512xi32, #tpu.memory_space<vmem>>
    %dma_wait3A_703 = tpu.memref_squeeze %dma_wait3A_702 : memref<1x512xi32, #tpu.memory_space<vmem>> -> memref<512xi32, #tpu.memory_space<vmem>>
    %dma_wait3A_704 = arith.constant 0 : i32
    %dma_wait3A_705 = arith.constant 0 : i32
    %dma_wait3A_706 = tpu.memref_slice %arg3[%dma_wait3A_704, %dma_wait3A_705] : memref<1000001x64xf32, #tpu.memory_space<hbm>> -> memref<1000001x64xf32, #tpu.memory_space<hbm>>
    tpu.wait_indirect_dma semaphore(%arg7 : memref<!tpu.dma_semaphore, #tpu.memory_space<semaphore_mem>>) src(%dma_wait3A_706 : memref<1000001x64xf32, #tpu.memory_space<hbm>>) dst(%arg6 : memref<512x64xf32, #tpu.memory_space<vmem>>)
    %scan3A_707 = arith.constant 0 : i32
    %scan3A_708 = arith.constant 2.000000e-02 : f32
    %scan3A_709 = arith.constant 0 : i32
    %scan3A_710 = arith.constant 512 : i32
    %scan3A_711 = arith.addi %scan3A_709, %scan3A_710 : i32
    %scan3A_712 = arith.constant 1 : i32
    scf.for %scan3A_714 = %scan3A_709 to %scan3A_711 step %scan3A_712  : i32 {
      %get3A = arith.index_cast %scan3A_714 : i32 to index
      %get3A_715 = arith.constant 0 : index
      %get3A_716 = tpu.vector_load %arg6[%get3A, %get3A_715] {strides = array<i32>} : memref<512x64xf32, #tpu.memory_space<vmem>>, vector<1x16xf32>,
      %get3A_717 = vector.shape_cast %get3A_716 : vector<1x16xf32> to vector<16xf32>
      %mul3A_718 = vector.broadcast %scan3A_708 : f32 to vector<16xf32>
      %mul3A_719 = arith.mulf %get3A_717, %mul3A_718 : vector<16xf32>
      %swap3A = arith.index_cast %scan3A_714 : i32 to index
      %swap3A_720 = arith.constant 0 : index
      %swap3A_721 = tpu.vector_load %arg6[%swap3A, %swap3A_720] {strides = array<i32>} : memref<512x64xf32, #tpu.memory_space<vmem>>, vector<1x16xf32>,
      %swap3A_722 = vector.shape_cast %swap3A_721 : vector<1x16xf32> to vector<16xf32>
      %swap3A_723 = vector.shape_cast %mul3A_719 : vector<16xf32> to vector<1x16xf32>
      tpu.vector_store %arg6[%swap3A, %swap3A_720], %swap3A_723 {strides = array<i32>} : memref<512x64xf32, #tpu.memory_space<vmem>>, vector<1x16xf32>,
      %get3A_724 = arith.index_cast %scan3A_714 : i32 to index
      %get3A_725 = arith.constant 16 : index
      %get3A_726 = tpu.vector_load %arg6[%get3A_724, %get3A_725] {strides = array<i32>} : memref<512x64xf32, #tpu.memory_space<vmem>>, vector<1x16xf32>,
      %get3A_727 = vector.shape_cast %get3A_726 : vector<1x16xf32> to vector<16xf32>
      %mul3A_728 = vector.broadcast %scan3A_708 : f32 to vector<16xf32>
      %mul3A_729 = arith.mulf %get3A_727, %mul3A_728 : vector<16xf32>
      %swap3A_730 = arith.index_cast %scan3A_714 : i32 to index
      %swap3A_731 = arith.constant 16 : index
      %swap3A_732 = tpu.vector_load %arg6[%swap3A_730, %swap3A_731] {strides = array<i32>} : memref<512x64xf32, #tpu.memory_space<vmem>>, vector<1x16xf32>,
      %swap3A_733 = vector.shape_cast %swap3A_732 : vector<1x16xf32> to vector<16xf32>
      %swap3A_734 = vector.shape_cast %mul3A_729 : vector<16xf32> to vector<1x16xf32>
      tpu.vector_store %arg6[%swap3A_730, %swap3A_731], %swap3A_734 {strides = array<i32>} : memref<512x64xf32, #tpu.memory_space<vmem>>, vector<1x16xf32>,
      %get3A_735 = arith.index_cast %scan3A_714 : i32 to index
      %get3A_736 = arith.constant 32 : index
      %get3A_737 = tpu.vector_load %arg6[%get3A_735, %get3A_736] {strides = array<i32>} : memref<512x64xf32, #tpu.memory_space<vmem>>, vector<1x16xf32>,
      %get3A_738 = vector.shape_cast %get3A_737 : vector<1x16xf32> to vector<16xf32>
      %mul3A_739 = vector.broadcast %scan3A_708 : f32 to vector<16xf32>
      %mul3A_740 = arith.mulf %get3A_738, %mul3A_739 : vector<16xf32>
      %swap3A_741 = arith.index_cast %scan3A_714 : i32 to index
      %swap3A_742 = arith.constant 32 : index
      %swap3A_743 = tpu.vector_load %arg6[%swap3A_741, %swap3A_742] {strides = array<i32>} : memref<512x64xf32, #tpu.memory_space<vmem>>, vector<1x16xf32>,
      %swap3A_744 = vector.shape_cast %swap3A_743 : vector<1x16xf32> to vector<16xf32>
      %swap3A_745 = vector.shape_cast %mul3A_740 : vector<16xf32> to vector<1x16xf32>
      tpu.vector_store %arg6[%swap3A_741, %swap3A_742], %swap3A_745 {strides = array<i32>} : memref<512x64xf32, #tpu.memory_space<vmem>>, vector<1x16xf32>,
      %get3A_746 = arith.index_cast %scan3A_714 : i32 to index
      %get3A_747 = arith.constant 48 : index
      %get3A_748 = tpu.vector_load %arg6[%get3A_746, %get3A_747] {strides = array<i32>} : memref<512x64xf32, #tpu.memory_space<vmem>>, vector<1x16xf32>,
      %get3A_749 = vector.shape_cast %get3A_748 : vector<1x16xf32> to vector<16xf32>
      %mul3A_750 = vector.broadcast %scan3A_708 : f32 to vector<16xf32>
      %mul3A_751 = arith.mulf %get3A_749, %mul3A_750 : vector<16xf32>
      %swap3A_752 = arith.index_cast %scan3A_714 : i32 to index
      %swap3A_753 = arith.constant 48 : index
      %swap3A_754 = tpu.vector_load %arg6[%swap3A_752, %swap3A_753] {strides = array<i32>} : memref<512x64xf32, #tpu.memory_space<vmem>>, vector<1x16xf32>,
      %swap3A_755 = vector.shape_cast %swap3A_754 : vector<1x16xf32> to vector<16xf32>
      %swap3A_756 = vector.shape_cast %mul3A_751 : vector<16xf32> to vector<1x16xf32>
      tpu.vector_store %arg6[%swap3A_752, %swap3A_753], %swap3A_756 {strides = array<i32>} : memref<512x64xf32, #tpu.memory_space<vmem>>, vector<1x16xf32>,
    }
    %scan3A_713 = arith.constant 512 : i32
    "tpu.region"() ({
      %run_scoped3A = tpu.sem_alloc : memref<!tpu.dma_semaphore, #tpu.memory_space<semaphore_mem>>
      %dma_start3A_714 = arith.constant 0 : i32
      %dma_start3A_715 = tpu.memref_slice %arg4[%multiple_of3A, %dma_start3A_714] : memref<16384x64xf32, #tpu.memory_space<hbm>> -> memref<512x64xf32, #tpu.memory_space<hbm>>
      %dma_start3A_716 = arith.constant 0 : i32
      %dma_start3A_717 = tpu.memref_slice %arg4[%multiple_of3A, %dma_start3A_716] : memref<16384x64xf32, #tpu.memory_space<hbm>> -> memref<512x64xf32, #tpu.memory_space<hbm>>
      tpu.enqueue_dma source(%arg6 : memref<512x64xf32, #tpu.memory_space<vmem>>) target(%dma_start3A_717 : memref<512x64xf32, #tpu.memory_space<hbm>>) target_semaphore(%run_scoped3A : memref<!tpu.dma_semaphore, #tpu.memory_space<semaphore_mem>>)
      %dma_wait3A_718 = arith.constant 0 : i32
      %dma_wait3A_719 = tpu.memref_slice %arg4[%multiple_of3A, %dma_wait3A_718] : memref<16384x64xf32, #tpu.memory_space<hbm>> -> memref<512x64xf32, #tpu.memory_space<hbm>>
      %dma_wait3A_720 = arith.constant 0 : i32
      %dma_wait3A_721 = tpu.memref_slice %arg4[%multiple_of3A, %dma_wait3A_720] : memref<16384x64xf32, #tpu.memory_space<hbm>> -> memref<512x64xf32, #tpu.memory_space<hbm>>
      tpu.wait_dma2 semaphore(%run_scoped3A : memref<!tpu.dma_semaphore, #tpu.memory_space<semaphore_mem>>) src(%arg6 : memref<512x64xf32, #tpu.memory_space<vmem>>) dst(%dma_wait3A_721 : memref<512x64xf32, #tpu.memory_space<hbm>>)
      tpu.yield
    }) : () -> ()
    return
  }
}

</mosaic_0001>

<sc_bundles>
// kernel: kernel.3.cloned.1.call-start
scs
__scs_entry_jumppad:
0x0: {  	(pc) =	sbr.rel $0x88, $3  }
0x1: {  	(tag) =	ssettag $0x0;
	lr =	simm.s32 $0x1  }
0x2: {  	[smem:$0x3F9F] =	sst lr;
	_ =	strace $0xD0000000  }
0x3: {  	_ = 	snop  }
0x4: {  	_ = 	snop  }
0x5: {  	_ = 	snop  }
0x6: {  	_ = 	snop  }
0x7: {  	_ = 	snop  }
__scs_overlays_trampoline_lowered:
0x8: {  	[smem:$0x3FAE] =	sst s0  }
0x9: {  	[smem:$0x3FAF] =	sst s1  }
0xa: {  	[smem:$0x3FB0] =	sst s2  }
0xb: {  	[smem:$0x3FB1] =	sst s3  }
0xc: {  	[smem:$0x3FB2] =	sst s4  }
0xd: {  	[smem:$0x3FB3] =	sst s5  }
0xe: {  	[smem:$0x3FB4] =	sst s6  }
0xf: {  	[smem:$0x3FB5] =	sst s7  }
0x10: {  	[smem:$0x3FB6] =	sst s8  }
0x11: {  	[smem:$0x3FB7] =	sst s9;
	s0 =	simm.s32 @!p0 $0x0  }
0x12: {  	s1 =	sld [smem:$0x3F9D];
	s0 =	simm.s32 @p0 $0x1  }
0x13: {  	[smem:$0x3FB8] =	sst s0;
	s0 =	simm.s32 @!p1 $0x0  }
0x14: {  	s2 =	sld [smem:$0x3F9C];
	s0 =	simm.s32 @p1 $0x1  }
0x15: {  	[smem:$0x3FB9] =	sst s0;
	s0 =	simm.s32 @!p2 $0x0  }
0x16: {  	s3 =	sld [smem:$0x3FDB];
	s0 =	simm.s32 @p2 $0x1  }
0x17: {  	s4 =	simm.s32 $0x1BF5;
	[smem:$0x3FBB] =	sst s0  }
0x18: {  	s0 =	sld [smem:$0x3F9E];
	_ =	swait.ge [sflag:s4], $0x0  }
0x19: {  	s7 =	sld [smem:$0x3F9F]  }
0x1a: {  	s8 =	sadd.s32 $0xFFFFE003, lr  }
0x1b: {  	s9 =	sadd.s32 $0xFFFFFEF7, lr;
	s5 =	simm.s32 $0xFFFFFFFF;
	p2 =	slt.u32 s8, $0xFFFFF086  }
0x1c: {  	p1 =	slt.u32 s9, $0xF7A;
	s5 =	simm.s32 @!p2 $0x0  }
0x1d: {  	s5 =	simm.s32 @p1 $0x1;
	p0 =	seq.s32 s7, s2  }
0x1e: {  	s7 =	smul.u32 @!p0 $0xF7A, s2;
	p2 =	seq.s32 @!p0 s5, $0x0  }
0x1f: {  	s9 =	smul.u32 $0xF7A, s1;
	s8 =	simm.s32 @!p0 $0x1BF5;
	p2 =	por !p2, p0  }
0x20: {  	[sflag:s8] =	ssyncset.s32 @!p0 $0xFFFFF086;
	s6 =	sadd.s32 @!p0 s3, s7;
	s7 =	simm.s32 @!p0 $0x108  }
0x21: {  	s3 =	sadd.s32 s3, s9;
	s6 =	sadd.s32 @!p0 $0x88, s6;
	s7 =	simm.s32 @p2 $0x1082  }
0x22: {  	[simem:s7], [sflag:s8] =	dma.local @!p0 [hbm:s6], $0xF7A  }
0x23: {  	s9 =	sor.u32 $0xD0000000, s2;
	s6 =	simm.s32 $0x108;
	_ =	swait.ge @!p0 [sflag:s8], $0x0  }
0x24: {  	s3 =	sadd.s32 $0x88, s3;
	s6 =	simm.s32 @!p1 $0x1082;
	[sflag:s4] =	ssyncset.s32 $0xFFFFF086  }
0x25: {  	[simem:s6], [sflag:s4] =	dma.local [hbm:s3], $0xF7A  }
0x26: {  	[smem:$0x3F9F] =	sst s1;
	(tag) =	ssettag s2;
	_ =	strace s9  }
0x27: {  	s1 =	sld [smem:$0x3FAF]  }
0x28: {  	s2 =	sld [smem:$0x3FB0]  }
0x29: {  	s4 =	sld [smem:$0x3FB2]  }
0x2a: {  	p0 =	seq.s32 s5, $0x0;
	s5 =	sld [smem:$0x3FB3]  }
0x2b: {  	s6 =	sld [smem:$0x3FB4]  }
0x2c: {  	s7 =	sld [smem:$0x3FB5]  }
0x2d: {  	s3 =	simm.s32 $0x108;
	s8 =	sld [smem:$0x3FB6]  }
0x2e: {  	s3 =	simm.s32 @!p0 $0x1082;
	s9 =	sld [smem:$0x3FB7]  }
0x2f: {  	lr =	sadd.s32 s0, s3;
	s0 =	sld [smem:$0x3FAE]  }
0x30: {  	s3 =	sld [smem:$0x3FB1]  }
0x31: {  	[smem:$0x3FBA] =	sst s10  }
0x32: {  	s10 =	sld [smem:$0x3FB8];
	_ =	sdelay $0x3  }
0x33: {  	p0 =	seq.s32 s10, $0x1;
	s10 =	sld [smem:$0x3FBA];
	_ =	sdelay $0x3  }
0x34: {  	[smem:$0x3FBA] =	sst s10  }
0x35: {  	s10 =	sld [smem:$0x3FB9];
	_ =	sdelay $0x3  }
0x36: {  	p1 =	seq.s32 s10, $0x1;
	s10 =	sld [smem:$0x3FBA];
	_ =	sdelay $0x3  }
0x37: {  	[smem:$0x3FBA] =	sst s10  }
0x38: {  	s10 =	sld [smem:$0x3FBB]  }
0x39: {  	_ = 	snop;
	(pc) =	sbr.ind lr, $3  }
0x3a: {  	_ = 	snop  }
0x3b: {  	_ = 	snop  }
0x3c: {  	p2 =	seq.s32 s10, $0x1;
	s10 =	sld [smem:$0x3FBA]  }
0x3d: {  	_ =	shalt  }
0x3e: {  	_ =	shalt  }
0x3f: {  	_ =	shalt  }
0x40: {  	_ =	shalt  }
0x41: {  	_ =	shalt  }
0x42: {  	_ =	shalt  }
0x43: {  	_ =	shalt  }
0x44: {  	_ =	shalt  }
0x45: {  	_ =	shalt  }
0x46: {  	_ =	shalt  }
0x47: {  	_ =	shalt  }
0x48: {  	_ =	shalt  }
0x49: {  	_ =	shalt  }
0x4a: {  	_ =	shalt  }
0x4b: {  	_ =	shalt  }
0x4c: {  	_ =	shalt  }
0x4d: {  	_ =	shalt  }
0x4e: {  	_ =	shalt  }
0x4f: {  	_ =	shalt  }
0x50: {  	_ =	shalt  }
0x51: {  	_ =	shalt  }
0x52: {  	_ =	shalt  }
0x53: {  	_ =	shalt  }
0x54: {  	_ =	shalt  }
0x55: {  	_ =	shalt  }
0x56: {  	_ =	shalt  }
0x57: {  	_ =	shalt  }
0x58: {  	_ =	shalt  }
0x59: {  	_ =	shalt  }
0x5a: {  	_ =	shalt  }
0x5b: {  	_ =	shalt  }
0x5c: {  	_ =	shalt  }
0x5d: {  	_ =	shalt  }
0x5e: {  	_ =	shalt  }
0x5f: {  	_ =	shalt  }
0x60: {  	_ =	shalt  }
0x61: {  	_ =	shalt  }
0x62: {  	_ =	shalt  }
0x63: {  	_ =	shalt  }
0x64: {  	_ =	shalt  }
0x65: {  	_ =	shalt  }
0x66: {  	_ =	shalt  }
0x67: {  	_ =	shalt  }
0x68: {  	_ =	shalt  }
0x69: {  	_ =	shalt  }
0x6a: {  	_ =	shalt  }
0x6b: {  	_ =	shalt  }
0x6c: {  	_ =	shalt  }
0x6d: {  	_ =	shalt  }
0x6e: {  	_ =	shalt  }
0x6f: {  	_ =	shalt  }
0x70: {  	_ =	shalt  }
0x71: {  	_ =	shalt  }
0x72: {  	_ =	shalt  }
0x73: {  	_ =	shalt  }
0x74: {  	_ =	shalt  }
0x75: {  	_ =	shalt  }
0x76: {  	_ =	shalt  }
0x77: {  	_ =	shalt  }
0x78: {  	_ =	shalt  }
0x79: {  	_ =	shalt  }
0x7a: {  	_ =	shalt  }
0x7b: {  	_ =	shalt  }
0x7c: {  	_ =	shalt  }
0x7d: {  	_ =	shalt  }
0x7e: {  	_ =	shalt  }
0x7f: {  	_ =	shalt  }
0x80: {  	_ =	shalt  }
0x81: {  	_ =	shalt  }
0x82: {  	_ =	shalt  }
0x83: {  	_ =	shalt  }
0x84: {  	_ =	shalt  }
0x85: {  	_ =	shalt  }
0x86: {  	_ =	shalt  }
0x87: {  	_ =	shalt  }
.Lfunc_end0:
.L_simem_size_0:
called_computation_lowered:
.L_overlay_start_0:
0x88: {  	s2 =	sld [smem:$0x3FD9]  }
0x89: {  	s3 =	sld [smem:$0x3FFE];
	_ =	sdelay $0x1  }
0x8a: {  	s1 =	srdreg.scid  }
0x8b: {  	s0 =	sand.u32 $0x1, s1  }
0x8c: {  	s17 =	sshll.u32 s0, $0xA;
	s2 =	sadd.s32 s3, s2  }
0x8d: {  	s2 =	sadd.s32 s2, s17  }
0x8e: {  	[smem:$0x3FC6] =	sst s2  }
0x8f: {  	_ = 	snop  }
0x90: {  	s2 =	sld [smem:$0x3FD0];
	(tm) =	ssettm $0x1  }
0x91: {  	s18 =	sld [smem:$0x3FFB];
	_ =	sdelay $0x3  }
0x92: {  	_ =	strace s18  }
0x93: {  	s3 =	sld [smem:$0x3FFC];
	_ =	sdelay $0x3  }
0x94: {  	_ =	strace s3  }
0x95: {  	s3 =	sld [smem:$0x3FFD];
	_ =	sdelay $0x3  }
0x96: {  	_ =	strace s3  }
0x97: {  	_ =	strace $0x8FFFFFFF  }
0x98: {  	s19 =	sld [smem:$0x3FDB];
	_ =	sdelay $0x1  }
0x99: {  	s4 =	simm.s32 $_scs_section_size  }
0x9a: {  	s5 =	simm.s32 $_size__tile_overlayer_lowered;
	s6 =	simm.s32 $_tile_overlayer_lowered  }
0x9b: {  	s22 =	simm.s32 $0x1BFF;
	s21 =	sshll.u32 s6, $0x1;
	s3 =	sadd.s32 s4, s19  }
0x9c: {  	s7 =	simm.s32 $0x0;
	s20 =	sshll.u32 s5, $0x1;
	s5 =	sadd.s32 s21, s3  }
0x9d: {  	[timem:s7], [sflag:s22] =	dma.local [hbm:s5], s20  }
0x9e: {  	_ =	swait.ge [sflag:s22], s20  }
0x9f: {  	s4 =	ssub.s32 $0x0, s20;
	[sflag:s22] =	ssyncset.done $0x0  }
0xa0: {  	[sflag:s22] =	ssyncadd.s32 s4;
	_ =	sdelay $0x1  }
0xa1: {  	s23 =	simm.s32 $0x1B8B  }
0xa2: {  	_ =	swait.ge [sflag:s23], $0x1  }
0xa3: {  	[sflag:s23] =	ssyncset.done $0x0  }
0xa4: {  	s25 =	simm.s32 $0x1B8E;
	s24 =	sld [smem:$0x3FFE];
	[sflag:s23] =	ssyncadd.s32 $0xFFFFFFFF  }
0xa5: {  	s26 =	simm.s32 $execute0_lowered;
	[smem:$0x3FD2] =	sst s25  }
0xa6: {  	s5 =	sshll.u32 s26, $0x1;
	_ =	strace $0x80000046;
	[dreg:$0x1] =	wrdreg $0xFFFFFFFF  }
0xa7: {  	s28 =	simm.s32 $_size_execute0_lowered;
	s3 =	sadd.s32 s3, s5;
	[dreg:$0x0] =	wrdreg $0x0  }
0xa8: {  	s5 =	sshll.u32 s28, $0x1;
	[dreg:$0x2] =	wrdreg s3  }
0xa9: {  	[dreg:$0x3] =	wrdreg s5  }
0xaa: {  	[dreg:$0x4] =	wrdreg $0xC0  }
0xab: {  	_ =	task [dreg:s7], $0x5FFFF  }
0xac: {  	[dreg:$0x1] =	wrdreg $0xFFFFFFFF  }
0xad: {  	[dreg:$0x0] =	wrdreg $0x60  }
0xae: {  	[dreg:$0x2] =	wrdreg s24  }
0xaf: {  	[dreg:$0x3] =	wrdreg s2  }
0xb0: {  	[dreg:$0x4] =	wrdreg $0x9  }
0xb1: {  	_ =	task.clear_ibuf [dreg:s7], $0x5FFFF;
	_ =	strace $0x90000046  }
0xb2: {  	s29 =	simm.s32 $0x9;
	_ =	strace $0x80000048  }
0xb3: {  	_ =	swait.ge [sflag:s29], $0x1  }
0xb4: {  	[sflag:s29] =	ssyncadd.s32 $0xFFFFFFFF  }
0xb5: {  	_ =	strace $0x90000048  }
0xb6: {  	_ =	sfence  }
0xb7: {  	s30 =	sld [smem:$0x0];
	_ =	sdelay $0x2  }
0xb8: {  	s31 =	sshll.u32 s1, $0xD;
	s1 =	sshrl.u32 s1, $0x2  }
0xb9: {  	s3 =	sand.u32 $0x4000, s31;
	s1 =	sadd.s32 s1, s30  }
0xba: {  	s0 =	sor.u32 s3, s0;
	s1 =	sshll.u32 s1, $0x11  }
0xbb: {  	s0 =	sor.u32 s1, s0  }
0xbc: {  	s0 =	sadd.s32 $0x8F2B, s0  }
0xbd: {  	[sflag:s0] =	ssyncadd.remote.s32 $0x1  }
0xbe: {  	_ =	sfence.sel $0xFFFF  }
0xbf: {  	[dreg:$0x0] =	wrdreg $0xFFFFFFFF;
	(pc) =	sbr.abs _section_cstart, $3  }
0xc0: {  	[dreg:$0x1] =	wrdreg $0xFFFFFFFF  }
0xc1: {  	_ =	task.clear_ibuf [dreg:s7], $0x2FFFF;
	_ =	strace $0x9FFFFFFF  }
0xc2: {  	(tm) =	ssettm $0x7FFFFFFF  }
0xc3: {  	_ =	shalt  }
tec
execute0_lowered:
.L_overlay_start_1:
0x0: {  	(tag) =	ssettag $0x1  }
0x1: {  	s0 =	srdreg.scid;
	s1 =	rddreg [dreg:$0x0]  }
0x2: {  	s2 =	stileid.u32;
	s5 =	rddreg [dreg:$0x1];
	s8 =	simm.s32 $0x4000  }
0x3: {  	s9 =	simm.s32 $0x2;
	s10 =	simm.s32 $0x6400;
	s19 =	simm.s32 $0x4200  }
0x4: {  	s20 =	simm.s32 $0x4400;
	s21 =	simm.s32 $0x4600;
	s22 =	simm.s32 $0x4800  }
0x5: {  	s23 =	simm.s32 $0x4A00;
	s24 =	simm.s32 $0x4C00;
	s25 =	simm.s32 $0x4E00  }
0x6: {  	s28 =	simm.s32 $0x5200;
	s29 =	simm.s32 $0x5400;
	s30 =	simm.s32 $0x5600  }
0x7: {  	s31 =	simm.s32 $0x5800;
	s11 =	simm.s32 $0x5E00;
	s12 =	simm.s32 $0x6000  }
0x8: {  	s13 =	simm.s32 $0x6200;
	s14 =	simm.s32 $0x1;
	s15 =	simm.s32 $0x0  }
0x9: {  	s0 =	sand.u32 $0x1, s0;
	s3 =	sshll.u32 s2, $0xA;
	s2 =	simm.s32 $0x0  }
0xa: {  	s4 =	sshll.u32 s0, $0x9;
	[smem:$0x7FF] =	sst s2;
	s0 =	ssub.s32 $0x2, s0  }
0xb: {  	s4 =	sor.u32 s4, s3;
	_ =	strace $0x80000047;
	s26 =	sshrl.u32 s0, $0x1  }
0xc: {  	s3 =	sshrl.u32 s4, $0x3;
	s7 =	sshll.u32 s4, $0x3;
	s0 =	ssub.s32 s0, s26  }
0xd: {  	s26 =	simm.s32 $0x5000;
	s6 =	sadd.s32 s3, s1;
	s3 =	sadd.s32 $0xF42C00, s1  }
0xe: {  	s5 =	sadd.s32 s5, s7;
	s7 =	simm.s32 $0x200;
	s1 =	simm.s32 $0x5A00  }
0xf: {  	v0 =	vimm.f32 $0.0e+00;
	s4 =	sadd.s32 $0x600, s6;
	s6 =	smax.u32 s0, $0x1;
	s0 =	simm.s32 $0x5C00  }
.LBB2_1:
0x10: {  	[tilespmem:s2], [sflag:$0x2] =	stream.strided.gather [hbm4b:s4+s7], $0x6400, s8, s7, $0x38;
	[tilespmem:$0xE400] =	vst v63  }
0x11: {  	_ =	swait.ge [sflag:s9], $0x6400  }
0x12: {  	[sflag:s9] =	ssyncset.done $0x0  }
0x13: {  	s17 =	simm.s32 $0x100;
	s16 =	simm.s32 $0x0;
	[sflag:s9] =	ssyncadd.s32 $0xFFFF9C00  }
.LBB2_2:
0x14: {  	p0 =	sne.s32 s17, $0x1FF00;
	[tilespmem:s16+$0x6430] =	vst v0;
	s18 =	smov.u32 s17;
	s17 =	sadd.s32 $0x100, s17  }
.Ltmp0:
0x15: {  	[tilespmem:s16+$0x6420] =	vst v0;
	(pc) =	sbr.rel @p0 .LBB2_2-.Ltmp0, $3  }
0x16: {  	[tilespmem:s16+$0x6400] =	vst v0  }
0x17: {  	[tilespmem:s16+$0x6410] =	vst v0;
	_ =	sdelay $0x1  }
0x18: {  	s16 =	sshra.s32 s18, $0x2  }
0x19: {  	[tilespmem:s16+$0x6430] =	vst v0  }
0x1a: {  	[tilespmem:s16+$0x6420] =	vst v0  }
0x1b: {  	[tilespmem:s16+$0x6400] =	vst v0  }
0x1c: {  	[tilespmem:s16+$0x6410] =	vst v0;
	s18 =	simm.s32 $0x0  }
0x1d: {  	[tilespmem:s10], [sflag:$0x1] =	stream.indirect.gather.add.f32 [hbm:s3], $0x40, s18, s7, $0xb8;
	[tilespmem:$0xE400] =	vst v63  }
0x1e: {  	_ = 	snop  }
0x1f: {  	[tilespmem:s10], [sflag:$0x1] =	stream.indirect.gather.add.f32 [hbm:s3], $0x40, s7, s7, $0xb8;
	[tilespmem:$0xE400] =	vst v63  }
0x20: {  	s17 =	simm.s32 $0x400  }
0x21: {  	[tilespmem:s10], [sflag:$0x1] =	stream.indirect.gather.add.f32 [hbm:s3], $0x40, s17, s7, $0xb8;
	[tilespmem:$0xE400] =	vst v63  }
0x22: {  	s18 =	simm.s32 $0x600  }
0x23: {  	[tilespmem:s10], [sflag:$0x1] =	stream.indirect.gather.add.f32 [hbm:s3], $0x40, s18, s7, $0xb8;
	[tilespmem:$0xE400] =	vst v63  }
0x24: {  	s17 =	simm.s32 $0x800  }
0x25: {  	[tilespmem:s10], [sflag:$0x1] =	stream.indirect.gather.add.f32 [hbm:s3], $0x40, s17, s7, $0xb8;
	[tilespmem:$0xE400] =	vst v63  }
0x26: {  	s18 =	simm.s32 $0xA00  }
0x27: {  	[tilespmem:s10], [sflag:$0x1] =	stream.indirect.gather.add.f32 [hbm:s3], $0x40, s18, s7, $0xb8;
	[tilespmem:$0xE400] =	vst v63  }
0x28: {  	s17 =	simm.s32 $0xC00  }
0x29: {  	[tilespmem:s10], [sflag:$0x1] =	stream.indirect.gather.add.f32 [hbm:s3], $0x40, s17, s7, $0xb8;
	[tilespmem:$0xE400] =	vst v63  }
0x2a: {  	s18 =	simm.s32 $0xE00  }
0x2b: {  	[tilespmem:s10], [sflag:$0x1] =	stream.indirect.gather.add.f32 [hbm:s3], $0x40, s18, s7, $0xb8;
	[tilespmem:$0xE400] =	vst v63  }
0x2c: {  	s17 =	simm.s32 $0x1000  }
0x2d: {  	[tilespmem:s10], [sflag:$0x1] =	stream.indirect.gather.add.f32 [hbm:s3], $0x40, s17, s7, $0xb8;
	[tilespmem:$0xE400] =	vst v63  }
0x2e: {  	s18 =	simm.s32 $0x1200  }
0x2f: {  	[tilespmem:s10], [sflag:$0x1] =	stream.indirect.gather.add.f32 [hbm:s3], $0x40, s18, s7, $0xb8;
	[tilespmem:$0xE400] =	vst v63  }
0x30: {  	s17 =	simm.s32 $0x1400  }
0x31: {  	[tilespmem:s10], [sflag:$0x1] =	stream.indirect.gather.add.f32 [hbm:s3], $0x40, s17, s7, $0xb8;
	[tilespmem:$0xE400] =	vst v63  }
0x32: {  	s18 =	simm.s32 $0x1600  }
0x33: {  	[tilespmem:s10], [sflag:$0x1] =	stream.indirect.gather.add.f32 [hbm:s3], $0x40, s18, s7, $0xb8;
	[tilespmem:$0xE400] =	vst v63  }
0x34: {  	s17 =	simm.s32 $0x1800  }
0x35: {  	[tilespmem:s10], [sflag:$0x1] =	stream.indirect.gather.add.f32 [hbm:s3], $0x40, s17, s7, $0xb8;
	[tilespmem:$0xE400] =	vst v63  }
0x36: {  	s18 =	simm.s32 $0x1A00  }
0x37: {  	[tilespmem:s10], [sflag:$0x1] =	stream.indirect.gather.add.f32 [hbm:s3], $0x40, s18, s7, $0xb8;
	[tilespmem:$0xE400] =	vst v63  }
0x38: {  	s17 =	simm.s32 $0x1C00  }
0x39: {  	[tilespmem:s10], [sflag:$0x1] =	stream.indirect.gather.add.f32 [hbm:s3], $0x40, s17, s7, $0xb8;
	[tilespmem:$0xE400] =	vst v63  }
0x3a: {  	s18 =	simm.s32 $0x1E00  }
0x3b: {  	[tilespmem:s10], [sflag:$0x1] =	stream.indirect.gather.add.f32 [hbm:s3], $0x40, s18, s7, $0xb8;
	[tilespmem:$0xE400] =	vst v63  }
0x3c: {  	s17 =	simm.s32 $0x2000  }
0x3d: {  	[tilespmem:s10], [sflag:$0x1] =	stream.indirect.gather.add.f32 [hbm:s3], $0x40, s17, s7, $0xb8;
	[tilespmem:$0xE400] =	vst v63  }
0x3e: {  	s18 =	simm.s32 $0x2200  }
0x3f: {  	[tilespmem:s10], [sflag:$0x1] =	stream.indirect.gather.add.f32 [hbm:s3], $0x40, s18, s7, $0xb8;
	[tilespmem:$0xE400] =	vst v63  }
0x40: {  	s17 =	simm.s32 $0x2400  }
0x41: {  	[tilespmem:s10], [sflag:$0x1] =	stream.indirect.gather.add.f32 [hbm:s3], $0x40, s17, s7, $0xb8;
	[tilespmem:$0xE400] =	vst v63  }
0x42: {  	s18 =	simm.s32 $0x2600  }
0x43: {  	[tilespmem:s10], [sflag:$0x1] =	stream.indirect.gather.add.f32 [hbm:s3], $0x40, s18, s7, $0xb8;
	[tilespmem:$0xE400] =	vst v63  }
0x44: {  	s17 =	simm.s32 $0x2800  }
0x45: {  	[tilespmem:s10], [sflag:$0x1] =	stream.indirect.gather.add.f32 [hbm:s3], $0x40, s17, s7, $0xb8;
	[tilespmem:$0xE400] =	vst v63  }
0x46: {  	s18 =	simm.s32 $0x2A00  }
0x47: {  	[tilespmem:s10], [sflag:$0x1] =	stream.indirect.gather.add.f32 [hbm:s3], $0x40, s18, s7, $0xb8;
	[tilespmem:$0xE400] =	vst v63  }
0x48: {  	s17 =	simm.s32 $0x2C00  }
0x49: {  	[tilespmem:s10], [sflag:$0x1] =	stream.indirect.gather.add.f32 [hbm:s3], $0x40, s17, s7, $0xb8;
	[tilespmem:$0xE400] =	vst v63  }
0x4a: {  	s18 =	simm.s32 $0x2E00  }
0x4b: {  	[tilespmem:s10], [sflag:$0x1] =	stream.indirect.gather.add.f32 [hbm:s3], $0x40, s18, s7, $0xb8;
	[tilespmem:$0xE400] =	vst v63  }
0x4c: {  	s17 =	simm.s32 $0x3000  }
0x4d: {  	[tilespmem:s10], [sflag:$0x1] =	stream.indirect.gather.add.f32 [hbm:s3], $0x40, s17, s7, $0xb8;
	[tilespmem:$0xE400] =	vst v63  }
0x4e: {  	s18 =	simm.s32 $0x3200  }
0x4f: {  	[tilespmem:s10], [sflag:$0x1] =	stream.indirect.gather.add.f32 [hbm:s3], $0x40, s18, s7, $0xb8;
	[tilespmem:$0xE400] =	vst v63  }
0x50: {  	s17 =	simm.s32 $0x3400  }
0x51: {  	[tilespmem:s10], [sflag:$0x1] =	stream.indirect.gather.add.f32 [hbm:s3], $0x40, s17, s7, $0xb8;
	[tilespmem:$0xE400] =	vst v63  }
0x52: {  	s18 =	simm.s32 $0x3600  }
0x53: {  	[tilespmem:s10], [sflag:$0x1] =	stream.indirect.gather.add.f32 [hbm:s3], $0x40, s18, s7, $0xb8;
	[tilespmem:$0xE400] =	vst v63  }
0x54: {  	s17 =	simm.s32 $0x3800  }
0x55: {  	[tilespmem:s10], [sflag:$0x1] =	stream.indirect.gather.add.f32 [hbm:s3], $0x40, s17, s7, $0xb8;
	[tilespmem:$0xE400] =	vst v63  }
0x56: {  	s18 =	simm.s32 $0x3A00  }
0x57: {  	[tilespmem:s10], [sflag:$0x1] =	stream.indirect.gather.add.f32 [hbm:s3], $0x40, s18, s7, $0xb8;
	[tilespmem:$0xE400] =	vst v63  }
0x58: {  	s17 =	simm.s32 $0x3C00  }
0x59: {  	[tilespmem:s10], [sflag:$0x1] =	stream.indirect.gather.add.f32 [hbm:s3], $0x40, s17, s7, $0xb8;
	[tilespmem:$0xE400] =	vst v63  }
0x5a: {  	s18 =	simm.s32 $0x3E00  }
0x5b: {  	[tilespmem:s10], [sflag:$0x1] =	stream.indirect.gather.add.f32 [hbm:s3], $0x40, s18, s7, $0xb8;
	[tilespmem:$0xE400] =	vst v63  }
0x5c: {  	_ = 	snop  }
0x5d: {  	[tilespmem:s10], [sflag:$0x1] =	stream.indirect.gather.add.f32 [hbm:s3], $0x40, s8, s7, $0xb8;
	[tilespmem:$0xE400] =	vst v63  }
0x5e: {  	_ = 	snop  }
0x5f: {  	[tilespmem:s10], [sflag:$0x1] =	stream.indirect.gather.add.f32 [hbm:s3], $0x40, s19, s7, $0xb8;
	[tilespmem:$0xE400] =	vst v63  }
0x60: {  	_ = 	snop  }
0x61: {  	[tilespmem:s10], [sflag:$0x1] =	stream.indirect.gather.add.f32 [hbm:s3], $0x40, s20, s7, $0xb8;
	[tilespmem:$0xE400] =	vst v63  }
0x62: {  	_ = 	snop  }
0x63: {  	[tilespmem:s10], [sflag:$0x1] =	stream.indirect.gather.add.f32 [hbm:s3], $0x40, s21, s7, $0xb8;
	[tilespmem:$0xE400] =	vst v63  }
0x64: {  	_ = 	snop  }
0x65: {  	[tilespmem:s10], [sflag:$0x1] =	stream.indirect.gather.add.f32 [hbm:s3], $0x40, s22, s7, $0xb8;
	[tilespmem:$0xE400] =	vst v63  }
0x66: {  	_ = 	snop  }
0x67: {  	[tilespmem:s10], [sflag:$0x1] =	stream.indirect.gather.add.f32 [hbm:s3], $0x40, s23, s7, $0xb8;
	[tilespmem:$0xE400] =	vst v63  }
0x68: {  	_ = 	snop  }
0x69: {  	[tilespmem:s10], [sflag:$0x1] =	stream.indirect.gather.add.f32 [hbm:s3], $0x40, s24, s7, $0xb8;
	[tilespmem:$0xE400] =	vst v63  }
0x6a: {  	_ = 	snop  }
0x6b: {  	[tilespmem:s10], [sflag:$0x1] =	stream.indirect.gather.add.f32 [hbm:s3], $0x40, s25, s7, $0xb8;
	[tilespmem:$0xE400] =	vst v63  }
0x6c: {  	_ = 	snop  }
0x6d: {  	[tilespmem:s10], [sflag:$0x1] =	stream.indirect.gather.add.f32 [hbm:s3], $0x40, s26, s7, $0xb8;
	[tilespmem:$0xE400] =	vst v63  }
0x6e: {  	_ = 	snop  }
0x6f: {  	[tilespmem:s10], [sflag:$0x1] =	stream.indirect.gather.add.f32 [hbm:s3], $0x40, s28, s7, $0xb8;
	[tilespmem:$0xE400] =	vst v63  }
0x70: {  	_ = 	snop  }
0x71: {  	[tilespmem:s10], [sflag:$0x1] =	stream.indirect.gather.add.f32 [hbm:s3], $0x40, s29, s7, $0xb8;
	[tilespmem:$0xE400] =	vst v63  }
0x72: {  	_ = 	snop  }
0x73: {  	[tilespmem:s10], [sflag:$0x1] =	stream.indirect.gather.add.f32 [hbm:s3], $0x40, s30, s7, $0xb8;
	[tilespmem:$0xE400] =	vst v63  }
0x74: {  	_ = 	snop  }
0x75: {  	[tilespmem:s10], [sflag:$0x1] =	stream.indirect.gather.add.f32 [hbm:s3], $0x40, s31, s7, $0xb8;
	[tilespmem:$0xE400] =	vst v63  }
0x76: {  	_ = 	snop  }
0x77: {  	[tilespmem:s10], [sflag:$0x1] =	stream.indirect.gather.add.f32 [hbm:s3], $0x40, s1, s7, $0xb8;
	[tilespmem:$0xE400] =	vst v63  }
0x78: {  	_ = 	snop  }
0x79: {  	[tilespmem:s10], [sflag:$0x1] =	stream.indirect.gather.add.f32 [hbm:s3], $0x40, s0, s7, $0xb8;
	[tilespmem:$0xE400] =	vst v63  }
0x7a: {  	_ = 	snop  }
0x7b: {  	[tilespmem:s10], [sflag:$0x1] =	stream.indirect.gather.add.f32 [hbm:s3], $0x40, s11, s7, $0xb8;
	[tilespmem:$0xE400] =	vst v63  }
0x7c: {  	_ = 	snop  }
0x7d: {  	[tilespmem:s10], [sflag:$0x1] =	stream.indirect.gather.add.f32 [hbm:s3], $0x40, s12, s7, $0xb8;
	[tilespmem:$0xE400] =	vst v63  }
0x7e: {  	_ = 	snop  }
0x7f: {  	[tilespmem:s10], [sflag:$0x1] =	stream.indirect.gather.add.f32 [hbm:s3], $0x40, s13, s7, $0xb8;
	[tilespmem:$0xE400] =	vst v63  }
0x80: {  	_ =	swait.ge [sflag:s14], $0x8000  }
0x81: {  	[sflag:s14] =	ssyncset.done $0x0  }
0x82: {  	[sflag:s14] =	ssyncadd.s32 $0xFFFF8000  }
0x83: {  	_ =	swait.ge [sflag:s14], $0x8000  }
0x84: {  	[sflag:s14] =	ssyncset.done $0x0  }
0x85: {  	[sflag:s14] =	ssyncadd.s32 $0xFFFF8000  }
0x86: {  	_ =	swait.ge [sflag:s14], $0x8000  }
0x87: {  	[sflag:s14] =	ssyncset.done $0x0  }
0x88: {  	[sflag:s14] =	ssyncadd.s32 $0xFFFF8000  }
0x89: {  	_ =	swait.ge [sflag:s14], $0x8000  }
0x8a: {  	[sflag:s14] =	ssyncset.done $0x0  }
0x8b: {  	[sflag:s14] =	ssyncadd.s32 $0xFFFF8000  }
0x8c: {  	_ =	swait.ge [sflag:s14], $0x8000  }
0x8d: {  	[sflag:s14] =	ssyncset.done $0x0  }
0x8e: {  	[sflag:s14] =	ssyncadd.s32 $0xFFFF8000  }
0x8f: {  	_ =	swait.ge [sflag:s14], $0x8000  }
0x90: {  	[sflag:s14] =	ssyncset.done $0x0  }
0x91: {  	[sflag:s14] =	ssyncadd.s32 $0xFFFF8000  }
0x92: {  	_ =	swait.ge [sflag:s14], $0x8000  }
0x93: {  	[sflag:s14] =	ssyncset.done $0x0  }
0x94: {  	[sflag:s14] =	ssyncadd.s32 $0xFFFF8000  }
0x95: {  	_ =	swait.ge [sflag:s14], $0x8000  }
0x96: {  	[sflag:s14] =	ssyncset.done $0x0  }
0x97: {  	[sflag:s14] =	ssyncadd.s32 $0xFFFF8000  }
0x98: {  	_ =	swait.ge [sflag:s14], $0x8000  }
0x99: {  	[sflag:s14] =	ssyncset.done $0x0  }
0x9a: {  	[sflag:s14] =	ssyncadd.s32 $0xFFFF8000  }
0x9b: {  	_ =	swait.ge [sflag:s14], $0x8000  }
0x9c: {  	[sflag:s14] =	ssyncset.done $0x0  }
0x9d: {  	[sflag:s14] =	ssyncadd.s32 $0xFFFF8000  }
0x9e: {  	_ =	swait.ge [sflag:s14], $0x8000  }
0x9f: {  	[sflag:s14] =	ssyncset.done $0x0  }
0xa0: {  	[sflag:s14] =	ssyncadd.s32 $0xFFFF8000  }
0xa1: {  	_ =	swait.ge [sflag:s14], $0x8000  }
0xa2: {  	[sflag:s14] =	ssyncset.done $0x0  }
0xa3: {  	[sflag:s14] =	ssyncadd.s32 $0xFFFF8000  }
0xa4: {  	_ =	swait.ge [sflag:s14], $0x8000  }
0xa5: {  	[sflag:s14] =	ssyncset.done $0x0  }
0xa6: {  	[sflag:s14] =	ssyncadd.s32 $0xFFFF8000  }
0xa7: {  	_ =	swait.ge [sflag:s14], $0x8000  }
0xa8: {  	[sflag:s14] =	ssyncset.done $0x0  }
0xa9: {  	[sflag:s14] =	ssyncadd.s32 $0xFFFF8000  }
0xaa: {  	_ =	swait.ge [sflag:s14], $0x8000  }
0xab: {  	[sflag:s14] =	ssyncset.done $0x0  }
0xac: {  	[sflag:s14] =	ssyncadd.s32 $0xFFFF8000  }
0xad: {  	_ =	swait.ge [sflag:s14], $0x8000  }
0xae: {  	[sflag:s14] =	ssyncset.done $0x0  }
0xaf: {  	[sflag:s14] =	ssyncadd.s32 $0xFFFF8000  }
0xb0: {  	_ =	swait.ge [sflag:s14], $0x8000  }
0xb1: {  	[sflag:s14] =	ssyncset.done $0x0  }
0xb2: {  	[sflag:s14] =	ssyncadd.s32 $0xFFFF8000  }
0xb3: {  	_ =	swait.ge [sflag:s14], $0x8000  }
0xb4: {  	[sflag:s14] =	ssyncset.done $0x0  }
0xb5: {  	[sflag:s14] =	ssyncadd.s32 $0xFFFF8000  }
0xb6: {  	_ =	swait.ge [sflag:s14], $0x8000  }
0xb7: {  	[sflag:s14] =	ssyncset.done $0x0  }
0xb8: {  	[sflag:s14] =	ssyncadd.s32 $0xFFFF8000  }
0xb9: {  	_ =	swait.ge [sflag:s14], $0x8000  }
0xba: {  	[sflag:s14] =	ssyncset.done $0x0  }
0xbb: {  	[sflag:s14] =	ssyncadd.s32 $0xFFFF8000  }
0xbc: {  	_ =	swait.ge [sflag:s14], $0x8000  }
0xbd: {  	[sflag:s14] =	ssyncset.done $0x0  }
0xbe: {  	[sflag:s14] =	ssyncadd.s32 $0xFFFF8000  }
0xbf: {  	_ =	swait.ge [sflag:s14], $0x8000  }
0xc0: {  	[sflag:s14] =	ssyncset.done $0x0  }
0xc1: {  	[sflag:s14] =	ssyncadd.s32 $0xFFFF8000  }
0xc2: {  	_ =	swait.ge [sflag:s14], $0x8000  }
0xc3: {  	[sflag:s14] =	ssyncset.done $0x0  }
0xc4: {  	[sflag:s14] =	ssyncadd.s32 $0xFFFF8000  }
0xc5: {  	_ =	swait.ge [sflag:s14], $0x8000  }
0xc6: {  	[sflag:s14] =	ssyncset.done $0x0  }
0xc7: {  	[sflag:s14] =	ssyncadd.s32 $0xFFFF8000  }
0xc8: {  	_ =	swait.ge [sflag:s14], $0x8000  }
0xc9: {  	[sflag:s14] =	ssyncset.done $0x0  }
0xca: {  	[sflag:s14] =	ssyncadd.s32 $0xFFFF8000  }
0xcb: {  	_ =	swait.ge [sflag:s14], $0x8000  }
0xcc: {  	[sflag:s14] =	ssyncset.done $0x0  }
0xcd: {  	[sflag:s14] =	ssyncadd.s32 $0xFFFF8000  }
0xce: {  	_ =	swait.ge [sflag:s14], $0x8000  }
0xcf: {  	[sflag:s14] =	ssyncset.done $0x0  }
0xd0: {  	[sflag:s14] =	ssyncadd.s32 $0xFFFF8000  }
0xd1: {  	_ =	swait.ge [sflag:s14], $0x8000  }
0xd2: {  	[sflag:s14] =	ssyncset.done $0x0  }
0xd3: {  	[sflag:s14] =	ssyncadd.s32 $0xFFFF8000  }
0xd4: {  	_ =	swait.ge [sflag:s14], $0x8000  }
0xd5: {  	[sflag:s14] =	ssyncset.done $0x0  }
0xd6: {  	[sflag:s14] =	ssyncadd.s32 $0xFFFF8000  }
0xd7: {  	_ =	swait.ge [sflag:s14], $0x8000  }
0xd8: {  	[sflag:s14] =	ssyncset.done $0x0  }
0xd9: {  	[sflag:s14] =	ssyncadd.s32 $0xFFFF8000  }
0xda: {  	_ =	swait.ge [sflag:s14], $0x8000  }
0xdb: {  	[sflag:s14] =	ssyncset.done $0x0  }
0xdc: {  	[sflag:s14] =	ssyncadd.s32 $0xFFFF8000  }
0xdd: {  	_ =	swait.ge [sflag:s14], $0x8000  }
0xde: {  	[sflag:s14] =	ssyncset.done $0x0  }
0xdf: {  	[sflag:s14] =	ssyncadd.s32 $0xFFFF8000  }
0xe0: {  	_ =	swait.ge [sflag:s14], $0x8000  }
0xe1: {  	[sflag:s14] =	ssyncset.done $0x0  }
0xe2: {  	[sflag:s14] =	ssyncadd.s32 $0xFFFF8000  }
0xe3: {  	_ =	swait.ge [sflag:s14], $0x8000  }
0xe4: {  	[sflag:s14] =	ssyncset.done $0x0  }
0xe5: {  	[sflag:s14] =	ssyncadd.s32 $0xFFFF8000  }
0xe6: {  	_ =	swait.ge [sflag:s14], $0x8000  }
0xe7: {  	[sflag:s14] =	ssyncset.done $0x0  }
0xe8: {  	[sflag:s14] =	ssyncadd.s32 $0xFFFF8000  }
0xe9: {  	_ =	swait.ge [sflag:s14], $0x8000  }
0xea: {  	[sflag:s14] =	ssyncset.done $0x0  }
0xeb: {  	[sflag:s14] =	ssyncadd.s32 $0xFFFF8000  }
0xec: {  	_ =	swait.ge [sflag:s14], $0x8000  }
0xed: {  	[sflag:s14] =	ssyncset.done $0x0  }
0xee: {  	[sflag:s14] =	ssyncadd.s32 $0xFFFF8000  }
0xef: {  	_ =	swait.ge [sflag:s14], $0x8000  }
0xf0: {  	[sflag:s14] =	ssyncset.done $0x0  }
0xf1: {  	[sflag:s14] =	ssyncadd.s32 $0xFFFF8000  }
0xf2: {  	_ =	swait.ge [sflag:s14], $0x8000  }
0xf3: {  	[sflag:s14] =	ssyncset.done $0x0  }
0xf4: {  	[sflag:s14] =	ssyncadd.s32 $0xFFFF8000  }
0xf5: {  	_ =	swait.ge [sflag:s14], $0x8000  }
0xf6: {  	[sflag:s14] =	ssyncset.done $0x0  }
0xf7: {  	[sflag:s14] =	ssyncadd.s32 $0xFFFF8000  }
0xf8: {  	_ =	swait.ge [sflag:s14], $0x8000  }
0xf9: {  	[sflag:s14] =	ssyncset.done $0x0  }
0xfa: {  	[sflag:s14] =	ssyncadd.s32 $0xFFFF8000  }
0xfb: {  	_ =	swait.ge [sflag:s14], $0x8000  }
0xfc: {  	[sflag:s14] =	ssyncset.done $0x0  }
0xfd: {  	[sflag:s14] =	ssyncadd.s32 $0xFFFF8000  }
0xfe: {  	_ =	swait.ge [sflag:s14], $0x8000  }
0xff: {  	[sflag:s14] =	ssyncset.done $0x0  }
0x100: {  	[sflag:s14] =	ssyncadd.s32 $0xFFFF8000  }
0x101: {  	_ =	swait.ge [sflag:s14], $0x8000  }
0x102: {  	[sflag:s14] =	ssyncset.done $0x0  }
0x103: {  	[sflag:s14] =	ssyncadd.s32 $0xFFFF8000  }
0x104: {  	_ =	swait.ge [sflag:s14], $0x8000  }
0x105: {  	[sflag:s14] =	ssyncset.done $0x0  }
0x106: {  	[sflag:s14] =	ssyncadd.s32 $0xFFFF8000  }
0x107: {  	_ =	swait.ge [sflag:s14], $0x8000  }
0x108: {  	[sflag:s14] =	ssyncset.done $0x0  }
0x109: {  	[sflag:s14] =	ssyncadd.s32 $0xFFFF8000  }
0x10a: {  	_ =	swait.ge [sflag:s14], $0x8000  }
0x10b: {  	[sflag:s14] =	ssyncset.done $0x0  }
0x10c: {  	[sflag:s14] =	ssyncadd.s32 $0xFFFF8000  }
0x10d: {  	_ =	swait.ge [sflag:s14], $0x8000  }
0x10e: {  	[sflag:s14] =	ssyncset.done $0x0  }
0x10f: {  	[sflag:s14] =	ssyncadd.s32 $0xFFFF8000  }
0x110: {  	_ =	swait.ge [sflag:s14], $0x8000  }
0x111: {  	[sflag:s14] =	ssyncset.done $0x0  }
0x112: {  	[sflag:s14] =	ssyncadd.s32 $0xFFFF8000  }
0x113: {  	_ =	swait.ge [sflag:s14], $0x8000  }
0x114: {  	[sflag:s14] =	ssyncset.done $0x0  }
0x115: {  	s16 =	simm.s32 $0x0;
	[sflag:s14] =	ssyncadd.s32 $0xFFFF8000  }
0x116: {  	v1 =	vld [tilespmem:s16+$0x6400]  }
0x117: {  	v3 =	vld [tilespmem:s16+$0x6410]  }
0x118: {  	s17 =	simm.s32 $0x100;
	v2 =	vld [tilespmem:s16+$0x6420]  }
.LBB2_4:
0x119: {  	p0 =	sne.s32 s17, $0x1FF00;
	v4 =	vld [tilespmem:s16+$0x6430];
	_ =	sdelay $0x1  }
0x11a: {  	v1 =	vmul.f32 $1.999999960e-02, v1  }
.Ltmp1:
0x11b: {  	v3 =	vmul.f32 $1.999999960e-02, v3;
	(pc) =	sbr.rel @p0 .LBB2_4-.Ltmp1, $4  }
0x11c: {  	s18 =	sshra.s32 s17, $0x2;
	[tilespmem:s16+$0x6400] =	vst v1;
	v2 =	vmul.f32 $1.999999960e-02, v2  }
0x11d: {  	v1 =	vld [tilespmem:s18+$0x6400];
	[tilespmem:s16+$0x6410] =	vst v3;
	v4 =	vmul.f32 $1.999999960e-02, v4  }
0x11e: {  	v3 =	vld [tilespmem:s18+$0x6410];
	[tilespmem:s16+$0x6420] =	vst v2  }
0x11f: {  	s17 =	sadd.s32 $0x100, s17;
	v2 =	vld [tilespmem:s18+$0x6420];
	[tilespmem:s16+$0x6430] =	vst v4;
	s16 =	smov.u32 s18  }
0x120: {  	v4 =	vld [tilespmem:s16+$0x6430];
	_ =	sdelay $0x1  }
0x121: {  	v1 =	vmul.f32 $1.999999960e-02, v1  }
0x122: {  	v3 =	vmul.f32 $1.999999960e-02, v3  }
0x123: {  	[tilespmem:s16+$0x6400] =	vst v1;
	v1 =	vmul.f32 $1.999999960e-02, v2  }
0x124: {  	s15 =	sadd.s32 $0x1, s15;
	[tilespmem:s16+$0x6410] =	vst v3;
	v2 =	vmul.f32 $1.999999960e-02, v4  }
0x125: {  	p0 =	sne.s32 s15, s6;
	[tilespmem:s16+$0x6420] =	vst v1  }
.Ltmp2:
0x126: {  	[tilespmem:s16+$0x6430] =	vst v2;
	(pc) =	sbr.rel @p0 .LBB2_1-.Ltmp2, $4  }
0x127: {  	[hbm4b:s5+s2] =	stream.linear.scatter [tilespmem:s10], [sflag:$0x2], $0x8000, $0x38;
	[tilespmem:$0xE400] =	vst v63  }
0x128: {  	_ =	swait.ge [sflag:s9], $0x8000  }
0x129: {  	[sflag:s9] =	ssyncset.done $0x0  }
0x12a: {  	[sflag:s9] =	ssyncadd.s32 $0xFFFF8000  }
0x12b: {  	_ =	sfence.sel $0x180000  }
0x12c: {  	[bflag:$0x0] =	sbarrier.arrive $0xFFFF  }
0x12d: {  	_ =	strace $0x90000047  }
0x12e: {  	s0 =	stileid.u32;
	[bflag:$0x2] =	sbarrier.arrive $0xFFFF  }
0x12f: {  	p0 =	sne.s32 s0, $0x0;
	s0 =	rddreg [dreg:$0x2]  }
0x130: {  	s0 =	sadd.s32 @!p0 $0x100000, s0  }
0x131: {  	[sflag:s0] =	ssyncadd.tile.s32 @!p0 $0x1;
	_ =	shalt  }
.Lfunc_end2:
_tile_overlayer_lowered:
.L_overlay_start_2:
0x132: {  	(tag) =	ssettag $0x2  }
0x133: {  	s0 =	rddreg [dreg:$0x0];
	s2 =	stileid.u32  }
0x134: {  	s1 =	rddreg [dreg:$0x1];
	p0 =	sne.s32 s2, $0x0  }
0x135: {  	s3 =	rddreg [dreg:$0x2];
	[bflag:$0x3] =	sbarrier.arrive $0xFFFF;
	s2 =	simm.s32 @!p0 $0x1C02  }
0x136: {  	[timem:s3], [sflag:s2] =	dma.local @!p0 [hbm:s0], s1  }
0x137: {  	s0 =	simm.s32 @!p0 $0x2  }
0x138: {  	_ =	swait.ge @!p0 [sflag:s0], s1  }
0x139: {  	s1 =	ssub.s32 @!p0 $0x0, s1;
	[sflag:s0] =	ssyncset.done @!p0 $0x0  }
0x13a: {  	[sflag:s0] =	ssyncadd.s32 @!p0 s1  }
0x13b: {  	[bflag:$0x3] =	sbarrier.arrive $0xFFFF  }
0x13c: {  	_ =	shalt  }

</sc_bundles>
